<compile_context>
chip_gen: v7x
topology: tpu7x:2x2x1
jax: 0.10.2.dev20260603
libtpu: 0.0.44.dev20260713+nightly
codegen_flags: <defaults>
</compile_context>

<pallas_src>
import functools

import jax
import jax.numpy as jnp
from jax import lax
from jax.experimental import pallas as pl
from jax.experimental.pallas import tpu as pltpu
from jax.experimental.pallas import tpu_sc as plsc

NUM_STATES = 100000
NUM_ACTIONS = 10
EMBED_DIM = 64
FOURIER_DIM = 64
BATCH = 16384

NUM_CORES = 2
NUM_SUBCORES = 16
NUM_WORKERS = NUM_CORES * NUM_SUBCORES
ROWS_PER_WORKER = BATCH // NUM_WORKERS
CHUNK = 128
NCHUNK = ROWS_PER_WORKER // CHUNK
LANES = 16

S_BLK = 1024
N_SBLK = 49
PAIR = N_SBLK * S_BLK

BB = 2048
GRID = BATCH // BB


def _dot_t(x, w):
    return lax.dot_general(x.astype(jnp.bfloat16), w.astype(jnp.bfloat16),
                           (((0,), (1,)), ((), ())),
                           preferred_element_type=jnp.float32)


def _fmt1_body(lo_ref, hi_ref, omega_ref, shift_ref, aemb_ref, asq_ref,
               out_ref):
    aemb = aemb_ref[...]
    stddev = jnp.sqrt(jnp.maximum(1e-8, asq_ref[...] - aemb * aemb))
    lo = (lo_ref[...] - aemb) / stddev
    hi = (hi_ref[...] - aemb) / stddev
    shift = shift_ref[...]
    plo = _dot_t(lo, omega_ref[...]) * (1.0 / (EMBED_DIM ** 0.5)) + shift
    phi = _dot_t(hi, omega_ref[...]) * (1.0 / (EMBED_DIM ** 0.5)) + shift
    out_ref[...] = jnp.concatenate([plo, phi], axis=1)


def _fmt2_body(lo_ref, hi_ref, omega_ref, shift_ref, out_ref):
    shift = shift_ref[...]
    plo = _dot_t(lo_ref[...], omega_ref[...]) + shift
    phi = _dot_t(hi_ref[...], omega_ref[...]) + shift
    out_ref[...] = jnp.concatenate([plo, phi], axis=1)[None]


def _sc_gather1_body(obs_hbm, fmt1_hbm, out_hbm, idx_v, rows_v, sem):
    wid = lax.axis_index("s") * NUM_CORES + lax.axis_index("c")
    crow = wid * NCHUNK
    base = wid * ROWS_PER_WORKER
    pltpu.sync_copy(obs_hbm.at[pl.ds(crow, NCHUNK)], idx_v)
    for j in range(NCHUNK):
        @pl.loop(0, CHUNK, step=LANES)
        def _(k, j=j):
            v = idx_v[j, pl.ds(k, LANES)]
            idx_v[j, pl.ds(k, LANES)] = jnp.where(v >= PAIR, v - PAIR, v)
    copies = []
    for j in range(NCHUNK):
        copies.append(pltpu.async_copy(
            fmt1_hbm.at[idx_v.at[j]],
            rows_v.at[pl.ds(j * CHUNK, CHUNK)], sem))
    for c in copies:
        c.wait()
    pltpu.sync_copy(rows_v, out_hbm.at[pl.ds(base, ROWS_PER_WORKER)])


def _sc_gather2_body(nobs_hbm, act_hbm, fmt2_hbm, out_hbm,
                     idx_v, act_v, rows_v, sem):
    wid = lax.axis_index("s") * NUM_CORES + lax.axis_index("c")
    crow = wid * NCHUNK
    base = wid * ROWS_PER_WORKER
    pltpu.sync_copy(nobs_hbm.at[pl.ds(crow, NCHUNK)], idx_v)
    pltpu.sync_copy(act_hbm.at[pl.ds(crow, NCHUNK)], act_v)
    for j in range(NCHUNK):
        @pl.loop(0, CHUNK, step=LANES)
        def _(k, j=j):
            v = idx_v[j, pl.ds(k, LANES)]
            v = jnp.where(v >= PAIR, v - PAIR, v)
            idx_v[j, pl.ds(k, LANES)] = (
                act_v[j, pl.ds(k, LANES)] * PAIR + v)
    copies = []
    for j in range(NCHUNK):
        copies.append(pltpu.async_copy(
            fmt2_hbm.at[idx_v.at[j]],
            rows_v.at[pl.ds(j * CHUNK, CHUNK)], sem))
    for c in copies:
        c.wait()
    pltpu.sync_copy(rows_v, out_hbm.at[pl.ds(base, ROWS_PER_WORKER)])


def _dense_body(pe2_ref, pn2_ref, obs_ref, act_ref, nobs_ref, pol_ref,
                out_ref):
    pe2 = pe2_ref[...]
    pn2 = pn2_ref[...]
    pol = pol_ref[...]
    obs = obs_ref[0, 0, :]
    act = act_ref[0, 0, :]
    nobs = nobs_ref[0, 0, :]

    half1 = obs[:, None] >= PAIR
    pe = jnp.where(half1, pe2[:, FOURIER_DIM:], pe2[:, :FOURIER_DIM])
    half2 = nobs[:, None] >= PAIR
    pn = jnp.where(half2, pn2[:, FOURIER_DIM:], pn2[:, :FOURIER_DIM])

    def dot_bf16(a, b, dims):
        return lax.dot_general(a.astype(jnp.bfloat16),
                               b.astype(jnp.bfloat16), dims,
                               preferred_element_type=jnp.float32)

    el = jnp.cos(pe)
    logits = dot_bf16(el, pol, (((1,), (0,)), ((), ())))
    m = jnp.max(logits, axis=-1, keepdims=True)
    e = jnp.exp(logits - m)
    probs = e / jnp.sum(e, axis=-1, keepdims=True)
    onehot = lax.broadcasted_iota(jnp.int32, (BB, NUM_ACTIONS), 1) \
        == act[:, None]
    ap = jnp.sum(jnp.where(onehot, probs, 0.0), axis=-1)
    ne = jnp.cos(pn)
    et = ((2.0 / FOURIER_DIM) ** 0.5) * jnp.sum(el * ne, axis=-1)
    out_ref[...] = jnp.concatenate(
        [probs, ap[:, None], et[:, None]], axis=-1)


def kernel(observation, action, next_observation, state_embedder,
           state_action_embedder, omega, shift, average_embed,
           average_square, embed_policy):
    semb_t = jnp.transpose(state_embedder, (1, 0))
    sat_t = jnp.transpose(state_action_embedder, (1, 2, 0)) \
        .reshape(NUM_ACTIONS * EMBED_DIM, NUM_STATES)

    shift_row = shift.reshape(1, FOURIER_DIM)
    aemb_col = average_embed.reshape(EMBED_DIM, 1)
    asq_col = average_square.reshape(EMBED_DIM, 1)
    cfull = lambda c: (0, 0)
    fmt1 = pl.pallas_call(
        _fmt1_body,
        grid=(N_SBLK,),
        in_specs=[pl.BlockSpec((EMBED_DIM, S_BLK), lambda c: (0, c)),
                  pl.BlockSpec((EMBED_DIM, S_BLK), lambda c: (0, N_SBLK + c)),
                  pl.BlockSpec((FOURIER_DIM, EMBED_DIM), cfull),
                  pl.BlockSpec((1, FOURIER_DIM), cfull),
                  pl.BlockSpec((EMBED_DIM, 1), cfull),
                  pl.BlockSpec((EMBED_DIM, 1), cfull)],
        out_specs=pl.BlockSpec((S_BLK, 2 * FOURIER_DIM), lambda c: (c, 0)),
        out_shape=jax.ShapeDtypeStruct((PAIR, 2 * FOURIER_DIM), jnp.float32),
    )(semb_t, semb_t, omega, shift_row, aemb_col, asq_col)

    acfull = lambda a, c: (0, 0)
    fmt2 = pl.pallas_call(
        _fmt2_body,
        grid=(NUM_ACTIONS, N_SBLK),
        in_specs=[pl.BlockSpec((EMBED_DIM, S_BLK), lambda a, c: (a, c)),
                  pl.BlockSpec((EMBED_DIM, S_BLK),
                               lambda a, c: (a, N_SBLK + c)),
                  pl.BlockSpec((FOURIER_DIM, EMBED_DIM), acfull),
                  pl.BlockSpec((1, FOURIER_DIM), acfull)],
        out_specs=pl.BlockSpec((1, S_BLK, 2 * FOURIER_DIM),
                               lambda a, c: (a, c, 0)),
        out_shape=jax.ShapeDtypeStruct(
            (NUM_ACTIONS, PAIR, 2 * FOURIER_DIM), jnp.float32),
    )(sat_t, sat_t, omega, shift_row)
    fmt2 = fmt2.reshape(NUM_ACTIONS * PAIR, 2 * FOURIER_DIM)

    obs2 = observation.reshape(BATCH // CHUNK, CHUNK)
    nobs2 = next_observation.reshape(BATCH // CHUNK, CHUNK)
    act2 = action.reshape(BATCH // CHUNK, CHUNK)

    mesh = plsc.VectorSubcoreMesh(core_axis_name="c", subcore_axis_name="s")
    embed2 = pl.kernel(
        _sc_gather1_body,
        out_type=jax.ShapeDtypeStruct((BATCH, 2 * EMBED_DIM), jnp.float32),
        mesh=mesh,
        scratch_types=[
            pltpu.VMEM((NCHUNK, CHUNK), jnp.int32),
            pltpu.VMEM((ROWS_PER_WORKER, 2 * EMBED_DIM), jnp.float32),
            pltpu.SemaphoreType.DMA,
        ],
    )(obs2, fmt1)

    sa2 = pl.kernel(
        _sc_gather2_body,
        out_type=jax.ShapeDtypeStruct((BATCH, 2 * EMBED_DIM), jnp.float32),
        mesh=mesh,
        scratch_types=[
            pltpu.VMEM((NCHUNK, CHUNK), jnp.int32),
            pltpu.VMEM((NCHUNK, CHUNK), jnp.int32),
            pltpu.VMEM((ROWS_PER_WORKER, 2 * EMBED_DIM), jnp.float32),
            pltpu.SemaphoreType.DMA,
        ],
    )(nobs2, act2, fmt2)

    obs3 = observation.reshape(GRID, 1, BB)
    act3 = action.reshape(GRID, 1, BB)
    nobs3 = next_observation.reshape(GRID, 1, BB)
    out = pl.pallas_call(
        _dense_body,
        grid=(GRID,),
        in_specs=[
            pl.BlockSpec((BB, 2 * FOURIER_DIM), lambda i: (i, 0)),
            pl.BlockSpec((BB, 2 * FOURIER_DIM), lambda i: (i, 0)),
            pl.BlockSpec((1, 1, BB), lambda i: (i, 0, 0)),
            pl.BlockSpec((1, 1, BB), lambda i: (i, 0, 0)),
            pl.BlockSpec((1, 1, BB), lambda i: (i, 0, 0)),
            pl.BlockSpec((FOURIER_DIM, NUM_ACTIONS), lambda i: (0, 0)),
        ],
        out_specs=pl.BlockSpec((BB, NUM_ACTIONS + 2), lambda i: (i, 0)),
        out_shape=jax.ShapeDtypeStruct((BATCH, NUM_ACTIONS + 2),
                                       jnp.float32),
    )(embed2, sa2, obs3, act3, nobs3, embed_policy)
    return out

# --- scband reference (transcript-rebuilt; emitter-appended) ---
"""Pipeline reference for scband-tabular-bcenergy-31868657336534 (READ-ONLY COPY).

The authoritative reference and input builder live on the scoring server;
editing this copy changes nothing except your own understanding.
"""

import jax, jax.numpy as jnp
import numpy as np

NUM_STATES = 100000
NUM_ACTIONS = 10
EMBED_DIM = 64
FOURIER_DIM = 64
BATCH = 16384


def setup_inputs(seed: int = 0) -> dict:
    key = jax.random.key(seed)
    ks = jax.random.split(key, 8)
    observation = jax.random.randint(ks[0], (BATCH,), 0, NUM_STATES, dtype=jnp.int32)
    action = jax.random.randint(ks[1], (BATCH,), 0, NUM_ACTIONS, dtype=jnp.int32)
    next_observation = jax.random.randint(ks[2], (BATCH,), 0, NUM_STATES, dtype=jnp.int32)
    state_embedder = jax.random.truncated_normal(ks[3], -2.0, 2.0, (NUM_STATES, EMBED_DIM), dtype=jnp.float32)
    state_action_embedder = jax.random.truncated_normal(ks[4], -2.0, 2.0, (NUM_STATES, NUM_ACTIONS, EMBED_DIM), dtype=jnp.float32)
    omega = jax.random.normal(ks[5], (FOURIER_DIM, EMBED_DIM), dtype=jnp.float32)
    shift = jax.random.uniform(ks[6], (FOURIER_DIM,), minval=0.0, maxval=2 * 3.14159, dtype=jnp.float32)
    average_embed = jnp.zeros((EMBED_DIM,), jnp.float32)
    average_square = jnp.ones((EMBED_DIM,), jnp.float32)
    embed_policy = 0.01 * jax.random.normal(ks[7], (FOURIER_DIM, NUM_ACTIONS), dtype=jnp.float32)
    return {
        'observation': observation,
        'action': action,
        'next_observation': next_observation,
        'state_embedder': state_embedder,
        'state_action_embedder': state_action_embedder,
        'omega': omega,
        'shift': shift,
        'average_embed': average_embed,
        'average_square': average_square,
        'embed_policy': embed_policy,
    }


def reference(observation, action, next_observation, state_embedder,
              state_action_embedder, omega, shift, average_embed,
              average_square, embed_policy):
    # _state_fourier: gather state embeddings then random Fourier features
    embed = jnp.take(state_embedder, observation, axis=0)
    stddev_embed = jnp.sqrt(jnp.maximum(1e-08, average_square - average_embed ** 2))
    normalized_omegas = omega / stddev_embed[None, :]
    projection = (embed - jax.lax.stop_gradient(average_embed)) @ normalized_omegas.T
    projection = projection / (EMBED_DIM ** 0.5)
    embed_linear = jnp.cos(projection + shift)
    # embed policy head (as in train_step)
    logits = embed_linear @ embed_policy
    embed_policy_probs = jax.nn.softmax(logits, axis=-1)
    action_prob = jnp.sum(embed_policy_probs * jax.nn.one_hot(action, NUM_ACTIONS), axis=-1)
    # _state_action_fourier: gather_nd over [num_states, num_actions, d]
    sa_embed = state_action_embedder[next_observation, action]
    next_embed = jnp.cos(sa_embed @ omega.T + shift[None, :])
    embed_transition = jnp.sqrt(2.0 / FOURIER_DIM) * jnp.sum(embed_linear * next_embed, axis=-1)
    return jnp.concatenate(
        [embed_policy_probs, action_prob[:, None], embed_transition[:, None]], axis=-1)

if __name__ == "__main__":
    import jax
    _d = setup_inputs()
    print(jax.jit(kernel)(*tuple(_d.values())))

</pallas_src>

<mosaic_0001>
#map = affine_map<(d0, d1) -> (0, 0)>
module attributes {stable_mosaic.version = 14 : i64} {
  func.func @_sc_gather1_body(%arg0: i32, %arg1: i32, %arg2: memref<128x128xi32, #tpu.memory_space<hbm>>, %arg3: memref<50176x128xf32, #tpu.memory_space<hbm>>, %arg4: memref<16384x128xf32, #tpu.memory_space<hbm>>, %arg5: memref<4x128xi32, #tpu.memory_space<vmem>>, %arg6: memref<512x128xf32, #tpu.memory_space<vmem>>, %arg7: memref<!tpu.dma_semaphore, #tpu.memory_space<semaphore_mem>>) attributes {dimension_semantics = [#tpu.dimension_semantics<core_parallel>, #tpu.dimension_semantics<subcore_parallel>], iteration_bounds = array<i64: 2, 16>, scalar_prefetch = 0 : i64, scratch_operands = 3 : i64, tpu.core_type = #tpu.core_type<sc_vector_subcore>, window_params = [{transform_indices = #map}, {transform_indices = #map}, {transform_indices = #map}]} {
    %mul3A = arith.constant 2 : i32
    %mul3A_0 = arith.muli %arg1, %mul3A : i32
    %add3A = arith.addi %mul3A_0, %arg0 : i32
    %mul3A_1 = arith.constant 4 : i32
    %mul3A_2 = arith.muli %add3A, %mul3A_1 : i32
    %mul3A_3 = arith.constant 512 : i32
    %mul3A_4 = arith.muli %add3A, %mul3A_3 : i32
    "tpu.region"() ({
      %run_scoped3A = tpu.sem_alloc : memref<!tpu.dma_semaphore, #tpu.memory_space<semaphore_mem>>
      %dma_start3A_102 = arith.constant 0 : i32
      %dma_start3A_103 = tpu.memref_slice %arg2[%mul3A_2, %dma_start3A_102] : memref<128x128xi32, #tpu.memory_space<hbm>> -> memref<4x128xi32, #tpu.memory_space<hbm>>
      %dma_start3A_104 = arith.constant 0 : i32
      %dma_start3A_105 = tpu.memref_slice %arg2[%mul3A_2, %dma_start3A_104] : memref<128x128xi32, #tpu.memory_space<hbm>> -> memref<4x128xi32, #tpu.memory_space<hbm>>
      tpu.enqueue_dma source(%dma_start3A_105 : memref<4x128xi32, #tpu.memory_space<hbm>>) target(%arg5 : memref<4x128xi32, #tpu.memory_space<vmem>>) target_semaphore(%run_scoped3A : memref<!tpu.dma_semaphore, #tpu.memory_space<semaphore_mem>>)
      %dma_wait3A_106 = arith.constant 0 : i32
      %dma_wait3A_107 = tpu.memref_slice %arg2[%mul3A_2, %dma_wait3A_106] : memref<128x128xi32, #tpu.memory_space<hbm>> -> memref<4x128xi32, #tpu.memory_space<hbm>>
      %dma_wait3A_108 = arith.constant 0 : i32
      %dma_wait3A_109 = tpu.memref_slice %arg2[%mul3A_2, %dma_wait3A_108] : memref<128x128xi32, #tpu.memory_space<hbm>> -> memref<4x128xi32, #tpu.memory_space<hbm>>
      tpu.wait_dma2 semaphore(%run_scoped3A : memref<!tpu.dma_semaphore, #tpu.memory_space<semaphore_mem>>) src(%dma_wait3A_109 : memref<4x128xi32, #tpu.memory_space<hbm>>) dst(%arg5 : memref<4x128xi32, #tpu.memory_space<vmem>>)
      tpu.yield
    }) : () -> ()
    %scan3A = arith.constant 0 : i32
    %scan3A_5 = arith.constant 8 : i32
    %scan3A_6 = arith.addi %scan3A, %scan3A_5 : i32
    %scan3A_7 = arith.constant 1 : i32
    scf.for %scan3A_102 = %scan3A to %scan3A_6 step %scan3A_7  : i32 {
      %mul3A_103 = arith.constant 16 : i32
      %mul3A_104 = arith.muli %scan3A_102, %mul3A_103 : i32
      %add3A_105 = arith.constant 0 : i32
      %add3A_106 = arith.addi %add3A_105, %mul3A_104 : i32
      %get3A = arith.constant 0 : i32
      %get3A_107 = arith.index_cast %get3A : i32 to index
      %get3A_108 = arith.index_cast %add3A_106 : i32 to index
      %get3A_109 = tpu.vector_load %arg5[%get3A_107, %get3A_108] {strides = array<i32>} : memref<4x128xi32, #tpu.memory_space<vmem>>, vector<1x16xi32>,
      %get3A_110 = vector.shape_cast %get3A_109 : vector<1x16xi32> to vector<16xi32>
      %ge3A = arith.constant 50176 : i32
      %ge3A_111 = vector.broadcast %ge3A : i32 to vector<16xi32>
      %ge3A_112 = arith.cmpi sge, %get3A_110, %ge3A_111 : vector<16xi32>
      %sub3A = arith.constant 50176 : i32
      %sub3A_113 = vector.broadcast %sub3A : i32 to vector<16xi32>
      %sub3A_114 = arith.subi %get3A_110, %sub3A_113 : vector<16xi32>
      %select_n3A = arith.select %ge3A_112, %sub3A_114, %get3A_110 : vector<16xi1>, vector<16xi32>
      %swap3A = arith.constant 0 : i32
      %swap3A_115 = arith.index_cast %swap3A : i32 to index
      %swap3A_116 = arith.index_cast %add3A_106 : i32 to index
      %swap3A_117 = tpu.vector_load %arg5[%swap3A_115, %swap3A_116] {strides = array<i32>} : memref<4x128xi32, #tpu.memory_space<vmem>>, vector<1x16xi32>,
      %swap3A_118 = vector.shape_cast %swap3A_117 : vector<1x16xi32> to vector<16xi32>
      %swap3A_119 = vector.shape_cast %select_n3A : vector<16xi32> to vector<1x16xi32>
      tpu.vector_store %arg5[%swap3A_115, %swap3A_116], %swap3A_119 {strides = array<i32>} : memref<4x128xi32, #tpu.memory_space<vmem>>, vector<1x16xi32>,
    }
    %scan3A_8 = arith.constant 8 : i32
    %scan3A_9 = arith.constant 0 : i32
    %scan3A_10 = arith.constant 8 : i32
    %scan3A_11 = arith.addi %scan3A_9, %scan3A_10 : i32
    %scan3A_12 = arith.constant 1 : i32
    scf.for %scan3A_102 = %scan3A_9 to %scan3A_11 step %scan3A_12  : i32 {
      %mul3A_103 = arith.constant 16 : i32
      %mul3A_104 = arith.muli %scan3A_102, %mul3A_103 : i32
      %add3A_105 = arith.constant 0 : i32
      %add3A_106 = arith.addi %add3A_105, %mul3A_104 : i32
      %get3A = arith.constant 1 : i32
      %get3A_107 = arith.index_cast %get3A : i32 to index
      %get3A_108 = arith.index_cast %add3A_106 : i32 to index
      %get3A_109 = tpu.vector_load %arg5[%get3A_107, %get3A_108] {strides = array<i32>} : memref<4x128xi32, #tpu.memory_space<vmem>>, vector<1x16xi32>,
      %get3A_110 = vector.shape_cast %get3A_109 : vector<1x16xi32> to vector<16xi32>
      %ge3A = arith.constant 50176 : i32
      %ge3A_111 = vector.broadcast %ge3A : i32 to vector<16xi32>
      %ge3A_112 = arith.cmpi sge, %get3A_110, %ge3A_111 : vector<16xi32>
      %sub3A = arith.constant 50176 : i32
      %sub3A_113 = vector.broadcast %sub3A : i32 to vector<16xi32>
      %sub3A_114 = arith.subi %get3A_110, %sub3A_113 : vector<16xi32>
      %select_n3A = arith.select %ge3A_112, %sub3A_114, %get3A_110 : vector<16xi1>, vector<16xi32>
      %swap3A = arith.constant 1 : i32
      %swap3A_115 = arith.index_cast %swap3A : i32 to index
      %swap3A_116 = arith.index_cast %add3A_106 : i32 to index
      %swap3A_117 = tpu.vector_load %arg5[%swap3A_115, %swap3A_116] {strides = array<i32>} : memref<4x128xi32, #tpu.memory_space<vmem>>, vector<1x16xi32>,
      %swap3A_118 = vector.shape_cast %swap3A_117 : vector<1x16xi32> to vector<16xi32>
      %swap3A_119 = vector.shape_cast %select_n3A : vector<16xi32> to vector<1x16xi32>
      tpu.vector_store %arg5[%swap3A_115, %swap3A_116], %swap3A_119 {strides = array<i32>} : memref<4x128xi32, #tpu.memory_space<vmem>>, vector<1x16xi32>,
    }
    %scan3A_13 = arith.constant 8 : i32
    %scan3A_14 = arith.constant 0 : i32
    %scan3A_15 = arith.constant 8 : i32
    %scan3A_16 = arith.addi %scan3A_14, %scan3A_15 : i32
    %scan3A_17 = arith.constant 1 : i32
    scf.for %scan3A_102 = %scan3A_14 to %scan3A_16 step %scan3A_17  : i32 {
      %mul3A_103 = arith.constant 16 : i32
      %mul3A_104 = arith.muli %scan3A_102, %mul3A_103 : i32
      %add3A_105 = arith.constant 0 : i32
      %add3A_106 = arith.addi %add3A_105, %mul3A_104 : i32
      %get3A = arith.constant 2 : i32
      %get3A_107 = arith.index_cast %get3A : i32 to index
      %get3A_108 = arith.index_cast %add3A_106 : i32 to index
      %get3A_109 = tpu.vector_load %arg5[%get3A_107, %get3A_108] {strides = array<i32>} : memref<4x128xi32, #tpu.memory_space<vmem>>, vector<1x16xi32>,
      %get3A_110 = vector.shape_cast %get3A_109 : vector<1x16xi32> to vector<16xi32>
      %ge3A = arith.constant 50176 : i32
      %ge3A_111 = vector.broadcast %ge3A : i32 to vector<16xi32>
      %ge3A_112 = arith.cmpi sge, %get3A_110, %ge3A_111 : vector<16xi32>
      %sub3A = arith.constant 50176 : i32
      %sub3A_113 = vector.broadcast %sub3A : i32 to vector<16xi32>
      %sub3A_114 = arith.subi %get3A_110, %sub3A_113 : vector<16xi32>
      %select_n3A = arith.select %ge3A_112, %sub3A_114, %get3A_110 : vector<16xi1>, vector<16xi32>
      %swap3A = arith.constant 2 : i32
      %swap3A_115 = arith.index_cast %swap3A : i32 to index
      %swap3A_116 = arith.index_cast %add3A_106 : i32 to index
      %swap3A_117 = tpu.vector_load %arg5[%swap3A_115, %swap3A_116] {strides = array<i32>} : memref<4x128xi32, #tpu.memory_space<vmem>>, vector<1x16xi32>,
      %swap3A_118 = vector.shape_cast %swap3A_117 : vector<1x16xi32> to vector<16xi32>
      %swap3A_119 = vector.shape_cast %select_n3A : vector<16xi32> to vector<1x16xi32>
      tpu.vector_store %arg5[%swap3A_115, %swap3A_116], %swap3A_119 {strides = array<i32>} : memref<4x128xi32, #tpu.memory_space<vmem>>, vector<1x16xi32>,
    }
    %scan3A_18 = arith.constant 8 : i32
    %scan3A_19 = arith.constant 0 : i32
    %scan3A_20 = arith.constant 8 : i32
    %scan3A_21 = arith.addi %scan3A_19, %scan3A_20 : i32
    %scan3A_22 = arith.constant 1 : i32
    scf.for %scan3A_102 = %scan3A_19 to %scan3A_21 step %scan3A_22  : i32 {
      %mul3A_103 = arith.constant 16 : i32
      %mul3A_104 = arith.muli %scan3A_102, %mul3A_103 : i32
      %add3A_105 = arith.constant 0 : i32
      %add3A_106 = arith.addi %add3A_105, %mul3A_104 : i32
      %get3A = arith.constant 3 : i32
      %get3A_107 = arith.index_cast %get3A : i32 to index
      %get3A_108 = arith.index_cast %add3A_106 : i32 to index
      %get3A_109 = tpu.vector_load %arg5[%get3A_107, %get3A_108] {strides = array<i32>} : memref<4x128xi32, #tpu.memory_space<vmem>>, vector<1x16xi32>,
      %get3A_110 = vector.shape_cast %get3A_109 : vector<1x16xi32> to vector<16xi32>
      %ge3A = arith.constant 50176 : i32
      %ge3A_111 = vector.broadcast %ge3A : i32 to vector<16xi32>
      %ge3A_112 = arith.cmpi sge, %get3A_110, %ge3A_111 : vector<16xi32>
      %sub3A = arith.constant 50176 : i32
      %sub3A_113 = vector.broadcast %sub3A : i32 to vector<16xi32>
      %sub3A_114 = arith.subi %get3A_110, %sub3A_113 : vector<16xi32>
      %select_n3A = arith.select %ge3A_112, %sub3A_114, %get3A_110 : vector<16xi1>, vector<16xi32>
      %swap3A = arith.constant 3 : i32
      %swap3A_115 = arith.index_cast %swap3A : i32 to index
      %swap3A_116 = arith.index_cast %add3A_106 : i32 to index
      %swap3A_117 = tpu.vector_load %arg5[%swap3A_115, %swap3A_116] {strides = array<i32>} : memref<4x128xi32, #tpu.memory_space<vmem>>, vector<1x16xi32>,
      %swap3A_118 = vector.shape_cast %swap3A_117 : vector<1x16xi32> to vector<16xi32>
      %swap3A_119 = vector.shape_cast %select_n3A : vector<16xi32> to vector<1x16xi32>
      tpu.vector_store %arg5[%swap3A_115, %swap3A_116], %swap3A_119 {strides = array<i32>} : memref<4x128xi32, #tpu.memory_space<vmem>>, vector<1x16xi32>,
    }
    %scan3A_23 = arith.constant 8 : i32
    %dma_start3A = arith.constant 0 : i32
    %dma_start3A_24 = arith.constant 0 : i32
    %dma_start3A_25 = arith.constant 0 : i32
    %dma_start3A_26 = tpu.memref_slice %arg6[%dma_start3A_24, %dma_start3A_25] : memref<512x128xf32, #tpu.memory_space<vmem>> -> memref<128x128xf32, #tpu.memory_space<vmem>>
    %dma_start3A_27 = arith.constant 0 : i32
    %dma_start3A_28 = tpu.memref_slice %arg5[%dma_start3A, %dma_start3A_27] : memref<4x128xi32, #tpu.memory_space<vmem>> -> memref<1x128xi32, #tpu.memory_space<vmem>>
    %dma_start3A_29 = tpu.memref_squeeze %dma_start3A_28 : memref<1x128xi32, #tpu.memory_space<vmem>> -> memref<128xi32, #tpu.memory_space<vmem>>
    %dma_start3A_30 = arith.constant 0 : i32
    %dma_start3A_31 = arith.constant 0 : i32
    %dma_start3A_32 = tpu.memref_slice %arg3[%dma_start3A_30, %dma_start3A_31] : memref<50176x128xf32, #tpu.memory_space<hbm>> -> memref<50176x128xf32, #tpu.memory_space<hbm>>
    tpu.enqueue_indirect_dma source(%dma_start3A_32 : memref<50176x128xf32, #tpu.memory_space<hbm>>) target(%dma_start3A_26 : memref<128x128xf32, #tpu.memory_space<vmem>>) offsets(%dma_start3A_29 : memref<128xi32, #tpu.memory_space<vmem>>) semaphore(%arg7 : memref<!tpu.dma_semaphore, #tpu.memory_space<semaphore_mem>>)
    %dma_start3A_33 = arith.constant 1 : i32
    %dma_start3A_34 = arith.constant 128 : i32
    %dma_start3A_35 = arith.constant 0 : i32
    %dma_start3A_36 = tpu.memref_slice %arg6[%dma_start3A_34, %dma_start3A_35] : memref<512x128xf32, #tpu.memory_space<vmem>> -> memref<128x128xf32, #tpu.memory_space<vmem>>
    %dma_start3A_37 = arith.constant 0 : i32
    %dma_start3A_38 = tpu.memref_slice %arg5[%dma_start3A_33, %dma_start3A_37] : memref<4x128xi32, #tpu.memory_space<vmem>> -> memref<1x128xi32, #tpu.memory_space<vmem>>
    %dma_start3A_39 = tpu.memref_squeeze %dma_start3A_38 : memref<1x128xi32, #tpu.memory_space<vmem>> -> memref<128xi32, #tpu.memory_space<vmem>>
    %dma_start3A_40 = arith.constant 0 : i32
    %dma_start3A_41 = arith.constant 0 : i32
    %dma_start3A_42 = tpu.memref_slice %arg3[%dma_start3A_40, %dma_start3A_41] : memref<50176x128xf32, #tpu.memory_space<hbm>> -> memref<50176x128xf32, #tpu.memory_space<hbm>>
    tpu.enqueue_indirect_dma source(%dma_start3A_42 : memref<50176x128xf32, #tpu.memory_space<hbm>>) target(%dma_start3A_36 : memref<128x128xf32, #tpu.memory_space<vmem>>) offsets(%dma_start3A_39 : memref<128xi32, #tpu.memory_space<vmem>>) semaphore(%arg7 : memref<!tpu.dma_semaphore, #tpu.memory_space<semaphore_mem>>)
    %dma_start3A_43 = arith.constant 2 : i32
    %dma_start3A_44 = arith.constant 256 : i32
    %dma_start3A_45 = arith.constant 0 : i32
    %dma_start3A_46 = tpu.memref_slice %arg6[%dma_start3A_44, %dma_start3A_45] : memref<512x128xf32, #tpu.memory_space<vmem>> -> memref<128x128xf32, #tpu.memory_space<vmem>>
    %dma_start3A_47 = arith.constant 0 : i32
    %dma_start3A_48 = tpu.memref_slice %arg5[%dma_start3A_43, %dma_start3A_47] : memref<4x128xi32, #tpu.memory_space<vmem>> -> memref<1x128xi32, #tpu.memory_space<vmem>>
    %dma_start3A_49 = tpu.memref_squeeze %dma_start3A_48 : memref<1x128xi32, #tpu.memory_space<vmem>> -> memref<128xi32, #tpu.memory_space<vmem>>
    %dma_start3A_50 = arith.constant 0 : i32
    %dma_start3A_51 = arith.constant 0 : i32
    %dma_start3A_52 = tpu.memref_slice %arg3[%dma_start3A_50, %dma_start3A_51] : memref<50176x128xf32, #tpu.memory_space<hbm>> -> memref<50176x128xf32, #tpu.memory_space<hbm>>
    tpu.enqueue_indirect_dma source(%dma_start3A_52 : memref<50176x128xf32, #tpu.memory_space<hbm>>) target(%dma_start3A_46 : memref<128x128xf32, #tpu.memory_space<vmem>>) offsets(%dma_start3A_49 : memref<128xi32, #tpu.memory_space<vmem>>) semaphore(%arg7 : memref<!tpu.dma_semaphore, #tpu.memory_space<semaphore_mem>>)
    %dma_start3A_53 = arith.constant 3 : i32
    %dma_start3A_54 = arith.constant 384 : i32
    %dma_start3A_55 = arith.constant 0 : i32
    %dma_start3A_56 = tpu.memref_slice %arg6[%dma_start3A_54, %dma_start3A_55] : memref<512x128xf32, #tpu.memory_space<vmem>> -> memref<128x128xf32, #tpu.memory_space<vmem>>
    %dma_start3A_57 = arith.constant 0 : i32
    %dma_start3A_58 = tpu.memref_slice %arg5[%dma_start3A_53, %dma_start3A_57] : memref<4x128xi32, #tpu.memory_space<vmem>> -> memref<1x128xi32, #tpu.memory_space<vmem>>
    %dma_start3A_59 = tpu.memref_squeeze %dma_start3A_58 : memref<1x128xi32, #tpu.memory_space<vmem>> -> memref<128xi32, #tpu.memory_space<vmem>>
    %dma_start3A_60 = arith.constant 0 : i32
    %dma_start3A_61 = arith.constant 0 : i32
    %dma_start3A_62 = tpu.memref_slice %arg3[%dma_start3A_60, %dma_start3A_61] : memref<50176x128xf32, #tpu.memory_space<hbm>> -> memref<50176x128xf32, #tpu.memory_space<hbm>>
    tpu.enqueue_indirect_dma source(%dma_start3A_62 : memref<50176x128xf32, #tpu.memory_space<hbm>>) target(%dma_start3A_56 : memref<128x128xf32, #tpu.memory_space<vmem>>) offsets(%dma_start3A_59 : memref<128xi32, #tpu.memory_space<vmem>>) semaphore(%arg7 : memref<!tpu.dma_semaphore, #tpu.memory_space<semaphore_mem>>)
    %dma_wait3A = arith.constant 0 : i32
    %dma_wait3A_63 = arith.constant 0 : i32
    %dma_wait3A_64 = arith.constant 0 : i32
    %dma_wait3A_65 = tpu.memref_slice %arg6[%dma_wait3A_63, %dma_wait3A_64] : memref<512x128xf32, #tpu.memory_space<vmem>> -> memref<128x128xf32, #tpu.memory_space<vmem>>
    %dma_wait3A_66 = arith.constant 0 : i32
    %dma_wait3A_67 = tpu.memref_slice %arg5[%dma_wait3A, %dma_wait3A_66] : memref<4x128xi32, #tpu.memory_space<vmem>> -> memref<1x128xi32, #tpu.memory_space<vmem>>
    %dma_wait3A_68 = tpu.memref_squeeze %dma_wait3A_67 : memref<1x128xi32, #tpu.memory_space<vmem>> -> memref<128xi32, #tpu.memory_space<vmem>>
    %dma_wait3A_69 = arith.constant 0 : i32
    %dma_wait3A_70 = arith.constant 0 : i32
    %dma_wait3A_71 = tpu.memref_slice %arg3[%dma_wait3A_69, %dma_wait3A_70] : memref<50176x128xf32, #tpu.memory_space<hbm>> -> memref<50176x128xf32, #tpu.memory_space<hbm>>
    tpu.wait_indirect_dma semaphore(%arg7 : memref<!tpu.dma_semaphore, #tpu.memory_space<semaphore_mem>>) src(%dma_wait3A_71 : memref<50176x128xf32, #tpu.memory_space<hbm>>) dst(%dma_wait3A_65 : memref<128x128xf32, #tpu.memory_space<vmem>>)
    %dma_wait3A_72 = arith.constant 1 : i32
    %dma_wait3A_73 = arith.constant 128 : i32
    %dma_wait3A_74 = arith.constant 0 : i32
    %dma_wait3A_75 = tpu.memref_slice %arg6[%dma_wait3A_73, %dma_wait3A_74] : memref<512x128xf32, #tpu.memory_space<vmem>> -> memref<128x128xf32, #tpu.memory_space<vmem>>
    %dma_wait3A_76 = arith.constant 0 : i32
    %dma_wait3A_77 = tpu.memref_slice %arg5[%dma_wait3A_72, %dma_wait3A_76] : memref<4x128xi32, #tpu.memory_space<vmem>> -> memref<1x128xi32, #tpu.memory_space<vmem>>
    %dma_wait3A_78 = tpu.memref_squeeze %dma_wait3A_77 : memref<1x128xi32, #tpu.memory_space<vmem>> -> memref<128xi32, #tpu.memory_space<vmem>>
    %dma_wait3A_79 = arith.constant 0 : i32
    %dma_wait3A_80 = arith.constant 0 : i32
    %dma_wait3A_81 = tpu.memref_slice %arg3[%dma_wait3A_79, %dma_wait3A_80] : memref<50176x128xf32, #tpu.memory_space<hbm>> -> memref<50176x128xf32, #tpu.memory_space<hbm>>
    tpu.wait_indirect_dma semaphore(%arg7 : memref<!tpu.dma_semaphore, #tpu.memory_space<semaphore_mem>>) src(%dma_wait3A_81 : memref<50176x128xf32, #tpu.memory_space<hbm>>) dst(%dma_wait3A_75 : memref<128x128xf32, #tpu.memory_space<vmem>>)
    %dma_wait3A_82 = arith.constant 2 : i32
    %dma_wait3A_83 = arith.constant 256 : i32
    %dma_wait3A_84 = arith.constant 0 : i32
    %dma_wait3A_85 = tpu.memref_slice %arg6[%dma_wait3A_83, %dma_wait3A_84] : memref<512x128xf32, #tpu.memory_space<vmem>> -> memref<128x128xf32, #tpu.memory_space<vmem>>
    %dma_wait3A_86 = arith.constant 0 : i32
    %dma_wait3A_87 = tpu.memref_slice %arg5[%dma_wait3A_82, %dma_wait3A_86] : memref<4x128xi32, #tpu.memory_space<vmem>> -> memref<1x128xi32, #tpu.memory_space<vmem>>
    %dma_wait3A_88 = tpu.memref_squeeze %dma_wait3A_87 : memref<1x128xi32, #tpu.memory_space<vmem>> -> memref<128xi32, #tpu.memory_space<vmem>>
    %dma_wait3A_89 = arith.constant 0 : i32
    %dma_wait3A_90 = arith.constant 0 : i32
    %dma_wait3A_91 = tpu.memref_slice %arg3[%dma_wait3A_89, %dma_wait3A_90] : memref<50176x128xf32, #tpu.memory_space<hbm>> -> memref<50176x128xf32, #tpu.memory_space<hbm>>
    tpu.wait_indirect_dma semaphore(%arg7 : memref<!tpu.dma_semaphore, #tpu.memory_space<semaphore_mem>>) src(%dma_wait3A_91 : memref<50176x128xf32, #tpu.memory_space<hbm>>) dst(%dma_wait3A_85 : memref<128x128xf32, #tpu.memory_space<vmem>>)
    %dma_wait3A_92 = arith.constant 3 : i32
    %dma_wait3A_93 = arith.constant 384 : i32
    %dma_wait3A_94 = arith.constant 0 : i32
    %dma_wait3A_95 = tpu.memref_slice %arg6[%dma_wait3A_93, %dma_wait3A_94] : memref<512x128xf32, #tpu.memory_space<vmem>> -> memref<128x128xf32, #tpu.memory_space<vmem>>
    %dma_wait3A_96 = arith.constant 0 : i32
    %dma_wait3A_97 = tpu.memref_slice %arg5[%dma_wait3A_92, %dma_wait3A_96] : memref<4x128xi32, #tpu.memory_space<vmem>> -> memref<1x128xi32, #tpu.memory_space<vmem>>
    %dma_wait3A_98 = tpu.memref_squeeze %dma_wait3A_97 : memref<1x128xi32, #tpu.memory_space<vmem>> -> memref<128xi32, #tpu.memory_space<vmem>>
    %dma_wait3A_99 = arith.constant 0 : i32
    %dma_wait3A_100 = arith.constant 0 : i32
    %dma_wait3A_101 = tpu.memref_slice %arg3[%dma_wait3A_99, %dma_wait3A_100] : memref<50176x128xf32, #tpu.memory_space<hbm>> -> memref<50176x128xf32, #tpu.memory_space<hbm>>
    tpu.wait_indirect_dma semaphore(%arg7 : memref<!tpu.dma_semaphore, #tpu.memory_space<semaphore_mem>>) src(%dma_wait3A_101 : memref<50176x128xf32, #tpu.memory_space<hbm>>) dst(%dma_wait3A_95 : memref<128x128xf32, #tpu.memory_space<vmem>>)
    "tpu.region"() ({
      %run_scoped3A = tpu.sem_alloc : memref<!tpu.dma_semaphore, #tpu.memory_space<semaphore_mem>>
      %dma_start3A_102 = arith.constant 0 : i32
      %dma_start3A_103 = tpu.memref_slice %arg4[%mul3A_4, %dma_start3A_102] : memref<16384x128xf32, #tpu.memory_space<hbm>> -> memref<512x128xf32, #tpu.memory_space<hbm>>
      %dma_start3A_104 = arith.constant 0 : i32
      %dma_start3A_105 = tpu.memref_slice %arg4[%mul3A_4, %dma_start3A_104] : memref<16384x128xf32, #tpu.memory_space<hbm>> -> memref<512x128xf32, #tpu.memory_space<hbm>>
      tpu.enqueue_dma source(%arg6 : memref<512x128xf32, #tpu.memory_space<vmem>>) target(%dma_start3A_105 : memref<512x128xf32, #tpu.memory_space<hbm>>) target_semaphore(%run_scoped3A : memref<!tpu.dma_semaphore, #tpu.memory_space<semaphore_mem>>)
      %dma_wait3A_106 = arith.constant 0 : i32
      %dma_wait3A_107 = tpu.memref_slice %arg4[%mul3A_4, %dma_wait3A_106] : memref<16384x128xf32, #tpu.memory_space<hbm>> -> memref<512x128xf32, #tpu.memory_space<hbm>>
      %dma_wait3A_108 = arith.constant 0 : i32
      %dma_wait3A_109 = tpu.memref_slice %arg4[%mul3A_4, %dma_wait3A_108] : memref<16384x128xf32, #tpu.memory_space<hbm>> -> memref<512x128xf32, #tpu.memory_space<hbm>>
      tpu.wait_dma2 semaphore(%run_scoped3A : memref<!tpu.dma_semaphore, #tpu.memory_space<semaphore_mem>>) src(%arg6 : memref<512x128xf32, #tpu.memory_space<vmem>>) dst(%dma_wait3A_109 : memref<512x128xf32, #tpu.memory_space<hbm>>)
      tpu.yield
    }) : () -> ()
    return
  }
}

#map = affine_map<(d0, d1) -> (0, 0)>
module attributes {stable_mosaic.version = 14 : i64} {
  func.func @_sc_gather2_body(%arg0: i32, %arg1: i32, %arg2: memref<128x128xi32, #tpu.memory_space<hbm>>, %arg3: memref<128x128xi32, #tpu.memory_space<hbm>>, %arg4: memref<501760x128xf32, #tpu.memory_space<hbm>>, %arg5: memref<16384x128xf32, #tpu.memory_space<hbm>>, %arg6: memref<4x128xi32, #tpu.memory_space<vmem>>, %arg7: memref<4x128xi32, #tpu.memory_space<vmem>>, %arg8: memref<512x128xf32, #tpu.memory_space<vmem>>, %arg9: memref<!tpu.dma_semaphore, #tpu.memory_space<semaphore_mem>>) attributes {dimension_semantics = [#tpu.dimension_semantics<core_parallel>, #tpu.dimension_semantics<subcore_parallel>], iteration_bounds = array<i64: 2, 16>, scalar_prefetch = 0 : i64, scratch_operands = 4 : i64, tpu.core_type = #tpu.core_type<sc_vector_subcore>, window_params = [{transform_indices = #map}, {transform_indices = #map}, {transform_indices = #map}, {transform_indices = #map}]} {
    %mul3A = arith.constant 2 : i32
    %mul3A_0 = arith.muli %arg1, %mul3A : i32
    %add3A = arith.addi %mul3A_0, %arg0 : i32
    %mul3A_1 = arith.constant 4 : i32
    %mul3A_2 = arith.muli %add3A, %mul3A_1 : i32
    %mul3A_3 = arith.constant 512 : i32
    %mul3A_4 = arith.muli %add3A, %mul3A_3 : i32
    "tpu.region"() ({
      %run_scoped3A = tpu.sem_alloc : memref<!tpu.dma_semaphore, #tpu.memory_space<semaphore_mem>>
      %dma_start3A_102 = arith.constant 0 : i32
      %dma_start3A_103 = tpu.memref_slice %arg2[%mul3A_2, %dma_start3A_102] : memref<128x128xi32, #tpu.memory_space<hbm>> -> memref<4x128xi32, #tpu.memory_space<hbm>>
      %dma_start3A_104 = arith.constant 0 : i32
      %dma_start3A_105 = tpu.memref_slice %arg2[%mul3A_2, %dma_start3A_104] : memref<128x128xi32, #tpu.memory_space<hbm>> -> memref<4x128xi32, #tpu.memory_space<hbm>>
      tpu.enqueue_dma source(%dma_start3A_105 : memref<4x128xi32, #tpu.memory_space<hbm>>) target(%arg6 : memref<4x128xi32, #tpu.memory_space<vmem>>) target_semaphore(%run_scoped3A : memref<!tpu.dma_semaphore, #tpu.memory_space<semaphore_mem>>)
      %dma_wait3A_106 = arith.constant 0 : i32
      %dma_wait3A_107 = tpu.memref_slice %arg2[%mul3A_2, %dma_wait3A_106] : memref<128x128xi32, #tpu.memory_space<hbm>> -> memref<4x128xi32, #tpu.memory_space<hbm>>
      %dma_wait3A_108 = arith.constant 0 : i32
      %dma_wait3A_109 = tpu.memref_slice %arg2[%mul3A_2, %dma_wait3A_108] : memref<128x128xi32, #tpu.memory_space<hbm>> -> memref<4x128xi32, #tpu.memory_space<hbm>>
      tpu.wait_dma2 semaphore(%run_scoped3A : memref<!tpu.dma_semaphore, #tpu.memory_space<semaphore_mem>>) src(%dma_wait3A_109 : memref<4x128xi32, #tpu.memory_space<hbm>>) dst(%arg6 : memref<4x128xi32, #tpu.memory_space<vmem>>)
      tpu.yield
    }) : () -> ()
    "tpu.region"() ({
      %run_scoped3A = tpu.sem_alloc : memref<!tpu.dma_semaphore, #tpu.memory_space<semaphore_mem>>
      %dma_start3A_102 = arith.constant 0 : i32
      %dma_start3A_103 = tpu.memref_slice %arg3[%mul3A_2, %dma_start3A_102] : memref<128x128xi32, #tpu.memory_space<hbm>> -> memref<4x128xi32, #tpu.memory_space<hbm>>
      %dma_start3A_104 = arith.constant 0 : i32
      %dma_start3A_105 = tpu.memref_slice %arg3[%mul3A_2, %dma_start3A_104] : memref<128x128xi32, #tpu.memory_space<hbm>> -> memref<4x128xi32, #tpu.memory_space<hbm>>
      tpu.enqueue_dma source(%dma_start3A_105 : memref<4x128xi32, #tpu.memory_space<hbm>>) target(%arg7 : memref<4x128xi32, #tpu.memory_space<vmem>>) target_semaphore(%run_scoped3A : memref<!tpu.dma_semaphore, #tpu.memory_space<semaphore_mem>>)
      %dma_wait3A_106 = arith.constant 0 : i32
      %dma_wait3A_107 = tpu.memref_slice %arg3[%mul3A_2, %dma_wait3A_106] : memref<128x128xi32, #tpu.memory_space<hbm>> -> memref<4x128xi32, #tpu.memory_space<hbm>>
      %dma_wait3A_108 = arith.constant 0 : i32
      %dma_wait3A_109 = tpu.memref_slice %arg3[%mul3A_2, %dma_wait3A_108] : memref<128x128xi32, #tpu.memory_space<hbm>> -> memref<4x128xi32, #tpu.memory_space<hbm>>
      tpu.wait_dma2 semaphore(%run_scoped3A : memref<!tpu.dma_semaphore, #tpu.memory_space<semaphore_mem>>) src(%dma_wait3A_109 : memref<4x128xi32, #tpu.memory_space<hbm>>) dst(%arg7 : memref<4x128xi32, #tpu.memory_space<vmem>>)
      tpu.yield
    }) : () -> ()
    %scan3A = arith.constant 0 : i32
    %scan3A_5 = arith.constant 8 : i32
    %scan3A_6 = arith.addi %scan3A, %scan3A_5 : i32
    %scan3A_7 = arith.constant 1 : i32
    scf.for %scan3A_102 = %scan3A to %scan3A_6 step %scan3A_7  : i32 {
      %mul3A_103 = arith.constant 16 : i32
      %mul3A_104 = arith.muli %scan3A_102, %mul3A_103 : i32
      %add3A_105 = arith.constant 0 : i32
      %add3A_106 = arith.addi %add3A_105, %mul3A_104 : i32
      %get3A = arith.constant 0 : i32
      %get3A_107 = arith.index_cast %get3A : i32 to index
      %get3A_108 = arith.index_cast %add3A_106 : i32 to index
      %get3A_109 = tpu.vector_load %arg6[%get3A_107, %get3A_108] {strides = array<i32>} : memref<4x128xi32, #tpu.memory_space<vmem>>, vector<1x16xi32>,
      %get3A_110 = vector.shape_cast %get3A_109 : vector<1x16xi32> to vector<16xi32>
      %ge3A = arith.constant 50176 : i32
      %ge3A_111 = vector.broadcast %ge3A : i32 to vector<16xi32>
      %ge3A_112 = arith.cmpi sge, %get3A_110, %ge3A_111 : vector<16xi32>
      %sub3A = arith.constant 50176 : i32
      %sub3A_113 = vector.broadcast %sub3A : i32 to vector<16xi32>
      %sub3A_114 = arith.subi %get3A_110, %sub3A_113 : vector<16xi32>
      %select_n3A = arith.select %ge3A_112, %sub3A_114, %get3A_110 : vector<16xi1>, vector<16xi32>
      %get3A_115 = arith.constant 0 : i32
      %get3A_116 = arith.index_cast %get3A_115 : i32 to index
      %get3A_117 = arith.index_cast %add3A_106 : i32 to index
      %get3A_118 = tpu.vector_load %arg7[%get3A_116, %get3A_117] {strides = array<i32>} : memref<4x128xi32, #tpu.memory_space<vmem>>, vector<1x16xi32>,
      %get3A_119 = vector.shape_cast %get3A_118 : vector<1x16xi32> to vector<16xi32>
      %mul3A_120 = arith.constant 50176 : i32
      %mul3A_121 = vector.broadcast %mul3A_120 : i32 to vector<16xi32>
      %mul3A_122 = arith.muli %get3A_119, %mul3A_121 : vector<16xi32>
      %add3A_123 = arith.addi %mul3A_122, %select_n3A : vector<16xi32>
      %swap3A = arith.constant 0 : i32
      %swap3A_124 = arith.index_cast %swap3A : i32 to index
      %swap3A_125 = arith.index_cast %add3A_106 : i32 to index
      %swap3A_126 = tpu.vector_load %arg6[%swap3A_124, %swap3A_125] {strides = array<i32>} : memref<4x128xi32, #tpu.memory_space<vmem>>, vector<1x16xi32>,
      %swap3A_127 = vector.shape_cast %swap3A_126 : vector<1x16xi32> to vector<16xi32>
      %swap3A_128 = vector.shape_cast %add3A_123 : vector<16xi32> to vector<1x16xi32>
      tpu.vector_store %arg6[%swap3A_124, %swap3A_125], %swap3A_128 {strides = array<i32>} : memref<4x128xi32, #tpu.memory_space<vmem>>, vector<1x16xi32>,
    }
    %scan3A_8 = arith.constant 8 : i32
    %scan3A_9 = arith.constant 0 : i32
    %scan3A_10 = arith.constant 8 : i32
    %scan3A_11 = arith.addi %scan3A_9, %scan3A_10 : i32
    %scan3A_12 = arith.constant 1 : i32
    scf.for %scan3A_102 = %scan3A_9 to %scan3A_11 step %scan3A_12  : i32 {
      %mul3A_103 = arith.constant 16 : i32
      %mul3A_104 = arith.muli %scan3A_102, %mul3A_103 : i32
      %add3A_105 = arith.constant 0 : i32
      %add3A_106 = arith.addi %add3A_105, %mul3A_104 : i32
      %get3A = arith.constant 1 : i32
      %get3A_107 = arith.index_cast %get3A : i32 to index
      %get3A_108 = arith.index_cast %add3A_106 : i32 to index
      %get3A_109 = tpu.vector_load %arg6[%get3A_107, %get3A_108] {strides = array<i32>} : memref<4x128xi32, #tpu.memory_space<vmem>>, vector<1x16xi32>,
      %get3A_110 = vector.shape_cast %get3A_109 : vector<1x16xi32> to vector<16xi32>
      %ge3A = arith.constant 50176 : i32
      %ge3A_111 = vector.broadcast %ge3A : i32 to vector<16xi32>
      %ge3A_112 = arith.cmpi sge, %get3A_110, %ge3A_111 : vector<16xi32>
      %sub3A = arith.constant 50176 : i32
      %sub3A_113 = vector.broadcast %sub3A : i32 to vector<16xi32>
      %sub3A_114 = arith.subi %get3A_110, %sub3A_113 : vector<16xi32>
      %select_n3A = arith.select %ge3A_112, %sub3A_114, %get3A_110 : vector<16xi1>, vector<16xi32>
      %get3A_115 = arith.constant 1 : i32
      %get3A_116 = arith.index_cast %get3A_115 : i32 to index
      %get3A_117 = arith.index_cast %add3A_106 : i32 to index
      %get3A_118 = tpu.vector_load %arg7[%get3A_116, %get3A_117] {strides = array<i32>} : memref<4x128xi32, #tpu.memory_space<vmem>>, vector<1x16xi32>,
      %get3A_119 = vector.shape_cast %get3A_118 : vector<1x16xi32> to vector<16xi32>
      %mul3A_120 = arith.constant 50176 : i32
      %mul3A_121 = vector.broadcast %mul3A_120 : i32 to vector<16xi32>
      %mul3A_122 = arith.muli %get3A_119, %mul3A_121 : vector<16xi32>
      %add3A_123 = arith.addi %mul3A_122, %select_n3A : vector<16xi32>
      %swap3A = arith.constant 1 : i32
      %swap3A_124 = arith.index_cast %swap3A : i32 to index
      %swap3A_125 = arith.index_cast %add3A_106 : i32 to index
      %swap3A_126 = tpu.vector_load %arg6[%swap3A_124, %swap3A_125] {strides = array<i32>} : memref<4x128xi32, #tpu.memory_space<vmem>>, vector<1x16xi32>,
      %swap3A_127 = vector.shape_cast %swap3A_126 : vector<1x16xi32> to vector<16xi32>
      %swap3A_128 = vector.shape_cast %add3A_123 : vector<16xi32> to vector<1x16xi32>
      tpu.vector_store %arg6[%swap3A_124, %swap3A_125], %swap3A_128 {strides = array<i32>} : memref<4x128xi32, #tpu.memory_space<vmem>>, vector<1x16xi32>,
    }
    %scan3A_13 = arith.constant 8 : i32
    %scan3A_14 = arith.constant 0 : i32
    %scan3A_15 = arith.constant 8 : i32
    %scan3A_16 = arith.addi %scan3A_14, %scan3A_15 : i32
    %scan3A_17 = arith.constant 1 : i32
    scf.for %scan3A_102 = %scan3A_14 to %scan3A_16 step %scan3A_17  : i32 {
      %mul3A_103 = arith.constant 16 : i32
      %mul3A_104 = arith.muli %scan3A_102, %mul3A_103 : i32
      %add3A_105 = arith.constant 0 : i32
      %add3A_106 = arith.addi %add3A_105, %mul3A_104 : i32
      %get3A = arith.constant 2 : i32
      %get3A_107 = arith.index_cast %get3A : i32 to index
      %get3A_108 = arith.index_cast %add3A_106 : i32 to index
      %get3A_109 = tpu.vector_load %arg6[%get3A_107, %get3A_108] {strides = array<i32>} : memref<4x128xi32, #tpu.memory_space<vmem>>, vector<1x16xi32>,
      %get3A_110 = vector.shape_cast %get3A_109 : vector<1x16xi32> to vector<16xi32>
      %ge3A = arith.constant 50176 : i32
      %ge3A_111 = vector.broadcast %ge3A : i32 to vector<16xi32>
      %ge3A_112 = arith.cmpi sge, %get3A_110, %ge3A_111 : vector<16xi32>
      %sub3A = arith.constant 50176 : i32
      %sub3A_113 = vector.broadcast %sub3A : i32 to vector<16xi32>
      %sub3A_114 = arith.subi %get3A_110, %sub3A_113 : vector<16xi32>
      %select_n3A = arith.select %ge3A_112, %sub3A_114, %get3A_110 : vector<16xi1>, vector<16xi32>
      %get3A_115 = arith.constant 2 : i32
      %get3A_116 = arith.index_cast %get3A_115 : i32 to index
      %get3A_117 = arith.index_cast %add3A_106 : i32 to index
      %get3A_118 = tpu.vector_load %arg7[%get3A_116, %get3A_117] {strides = array<i32>} : memref<4x128xi32, #tpu.memory_space<vmem>>, vector<1x16xi32>,
      %get3A_119 = vector.shape_cast %get3A_118 : vector<1x16xi32> to vector<16xi32>
      %mul3A_120 = arith.constant 50176 : i32
      %mul3A_121 = vector.broadcast %mul3A_120 : i32 to vector<16xi32>
      %mul3A_122 = arith.muli %get3A_119, %mul3A_121 : vector<16xi32>
      %add3A_123 = arith.addi %mul3A_122, %select_n3A : vector<16xi32>
      %swap3A = arith.constant 2 : i32
      %swap3A_124 = arith.index_cast %swap3A : i32 to index
      %swap3A_125 = arith.index_cast %add3A_106 : i32 to index
      %swap3A_126 = tpu.vector_load %arg6[%swap3A_124, %swap3A_125] {strides = array<i32>} : memref<4x128xi32, #tpu.memory_space<vmem>>, vector<1x16xi32>,
      %swap3A_127 = vector.shape_cast %swap3A_126 : vector<1x16xi32> to vector<16xi32>
      %swap3A_128 = vector.shape_cast %add3A_123 : vector<16xi32> to vector<1x16xi32>
      tpu.vector_store %arg6[%swap3A_124, %swap3A_125], %swap3A_128 {strides = array<i32>} : memref<4x128xi32, #tpu.memory_space<vmem>>, vector<1x16xi32>,
    }
    %scan3A_18 = arith.constant 8 : i32
    %scan3A_19 = arith.constant 0 : i32
    %scan3A_20 = arith.constant 8 : i32
    %scan3A_21 = arith.addi %scan3A_19, %scan3A_20 : i32
    %scan3A_22 = arith.constant 1 : i32
    scf.for %scan3A_102 = %scan3A_19 to %scan3A_21 step %scan3A_22  : i32 {
      %mul3A_103 = arith.constant 16 : i32
      %mul3A_104 = arith.muli %scan3A_102, %mul3A_103 : i32
      %add3A_105 = arith.constant 0 : i32
      %add3A_106 = arith.addi %add3A_105, %mul3A_104 : i32
      %get3A = arith.constant 3 : i32
      %get3A_107 = arith.index_cast %get3A : i32 to index
      %get3A_108 = arith.index_cast %add3A_106 : i32 to index
      %get3A_109 = tpu.vector_load %arg6[%get3A_107, %get3A_108] {strides = array<i32>} : memref<4x128xi32, #tpu.memory_space<vmem>>, vector<1x16xi32>,
      %get3A_110 = vector.shape_cast %get3A_109 : vector<1x16xi32> to vector<16xi32>
      %ge3A = arith.constant 50176 : i32
      %ge3A_111 = vector.broadcast %ge3A : i32 to vector<16xi32>
      %ge3A_112 = arith.cmpi sge, %get3A_110, %ge3A_111 : vector<16xi32>
      %sub3A = arith.constant 50176 : i32
      %sub3A_113 = vector.broadcast %sub3A : i32 to vector<16xi32>
      %sub3A_114 = arith.subi %get3A_110, %sub3A_113 : vector<16xi32>
      %select_n3A = arith.select %ge3A_112, %sub3A_114, %get3A_110 : vector<16xi1>, vector<16xi32>
      %get3A_115 = arith.constant 3 : i32
      %get3A_116 = arith.index_cast %get3A_115 : i32 to index
      %get3A_117 = arith.index_cast %add3A_106 : i32 to index
      %get3A_118 = tpu.vector_load %arg7[%get3A_116, %get3A_117] {strides = array<i32>} : memref<4x128xi32, #tpu.memory_space<vmem>>, vector<1x16xi32>,
      %get3A_119 = vector.shape_cast %get3A_118 : vector<1x16xi32> to vector<16xi32>
      %mul3A_120 = arith.constant 50176 : i32
      %mul3A_121 = vector.broadcast %mul3A_120 : i32 to vector<16xi32>
      %mul3A_122 = arith.muli %get3A_119, %mul3A_121 : vector<16xi32>
      %add3A_123 = arith.addi %mul3A_122, %select_n3A : vector<16xi32>
      %swap3A = arith.constant 3 : i32
      %swap3A_124 = arith.index_cast %swap3A : i32 to index
      %swap3A_125 = arith.index_cast %add3A_106 : i32 to index
      %swap3A_126 = tpu.vector_load %arg6[%swap3A_124, %swap3A_125] {strides = array<i32>} : memref<4x128xi32, #tpu.memory_space<vmem>>, vector<1x16xi32>,
      %swap3A_127 = vector.shape_cast %swap3A_126 : vector<1x16xi32> to vector<16xi32>
      %swap3A_128 = vector.shape_cast %add3A_123 : vector<16xi32> to vector<1x16xi32>
      tpu.vector_store %arg6[%swap3A_124, %swap3A_125], %swap3A_128 {strides = array<i32>} : memref<4x128xi32, #tpu.memory_space<vmem>>, vector<1x16xi32>,
    }
    %scan3A_23 = arith.constant 8 : i32
    %dma_start3A = arith.constant 0 : i32
    %dma_start3A_24 = arith.constant 0 : i32
    %dma_start3A_25 = arith.constant 0 : i32
    %dma_start3A_26 = tpu.memref_slice %arg8[%dma_start3A_24, %dma_start3A_25] : memref<512x128xf32, #tpu.memory_space<vmem>> -> memref<128x128xf32, #tpu.memory_space<vmem>>
    %dma_start3A_27 = arith.constant 0 : i32
    %dma_start3A_28 = tpu.memref_slice %arg6[%dma_start3A, %dma_start3A_27] : memref<4x128xi32, #tpu.memory_space<vmem>> -> memref<1x128xi32, #tpu.memory_space<vmem>>
    %dma_start3A_29 = tpu.memref_squeeze %dma_start3A_28 : memref<1x128xi32, #tpu.memory_space<vmem>> -> memref<128xi32, #tpu.memory_space<vmem>>
    %dma_start3A_30 = arith.constant 0 : i32
    %dma_start3A_31 = arith.constant 0 : i32
    %dma_start3A_32 = tpu.memref_slice %arg4[%dma_start3A_30, %dma_start3A_31] : memref<501760x128xf32, #tpu.memory_space<hbm>> -> memref<501760x128xf32, #tpu.memory_space<hbm>>
    tpu.enqueue_indirect_dma source(%dma_start3A_32 : memref<501760x128xf32, #tpu.memory_space<hbm>>) target(%dma_start3A_26 : memref<128x128xf32, #tpu.memory_space<vmem>>) offsets(%dma_start3A_29 : memref<128xi32, #tpu.memory_space<vmem>>) semaphore(%arg9 : memref<!tpu.dma_semaphore, #tpu.memory_space<semaphore_mem>>)
    %dma_start3A_33 = arith.constant 1 : i32
    %dma_start3A_34 = arith.constant 128 : i32
    %dma_start3A_35 = arith.constant 0 : i32
    %dma_start3A_36 = tpu.memref_slice %arg8[%dma_start3A_34, %dma_start3A_35] : memref<512x128xf32, #tpu.memory_space<vmem>> -> memref<128x128xf32, #tpu.memory_space<vmem>>
    %dma_start3A_37 = arith.constant 0 : i32
    %dma_start3A_38 = tpu.memref_slice %arg6[%dma_start3A_33, %dma_start3A_37] : memref<4x128xi32, #tpu.memory_space<vmem>> -> memref<1x128xi32, #tpu.memory_space<vmem>>
    %dma_start3A_39 = tpu.memref_squeeze %dma_start3A_38 : memref<1x128xi32, #tpu.memory_space<vmem>> -> memref<128xi32, #tpu.memory_space<vmem>>
    %dma_start3A_40 = arith.constant 0 : i32
    %dma_start3A_41 = arith.constant 0 : i32
    %dma_start3A_42 = tpu.memref_slice %arg4[%dma_start3A_40, %dma_start3A_41] : memref<501760x128xf32, #tpu.memory_space<hbm>> -> memref<501760x128xf32, #tpu.memory_space<hbm>>
    tpu.enqueue_indirect_dma source(%dma_start3A_42 : memref<501760x128xf32, #tpu.memory_space<hbm>>) target(%dma_start3A_36 : memref<128x128xf32, #tpu.memory_space<vmem>>) offsets(%dma_start3A_39 : memref<128xi32, #tpu.memory_space<vmem>>) semaphore(%arg9 : memref<!tpu.dma_semaphore, #tpu.memory_space<semaphore_mem>>)
    %dma_start3A_43 = arith.constant 2 : i32
    %dma_start3A_44 = arith.constant 256 : i32
    %dma_start3A_45 = arith.constant 0 : i32
    %dma_start3A_46 = tpu.memref_slice %arg8[%dma_start3A_44, %dma_start3A_45] : memref<512x128xf32, #tpu.memory_space<vmem>> -> memref<128x128xf32, #tpu.memory_space<vmem>>
    %dma_start3A_47 = arith.constant 0 : i32
    %dma_start3A_48 = tpu.memref_slice %arg6[%dma_start3A_43, %dma_start3A_47] : memref<4x128xi32, #tpu.memory_space<vmem>> -> memref<1x128xi32, #tpu.memory_space<vmem>>
    %dma_start3A_49 = tpu.memref_squeeze %dma_start3A_48 : memref<1x128xi32, #tpu.memory_space<vmem>> -> memref<128xi32, #tpu.memory_space<vmem>>
    %dma_start3A_50 = arith.constant 0 : i32
    %dma_start3A_51 = arith.constant 0 : i32
    %dma_start3A_52 = tpu.memref_slice %arg4[%dma_start3A_50, %dma_start3A_51] : memref<501760x128xf32, #tpu.memory_space<hbm>> -> memref<501760x128xf32, #tpu.memory_space<hbm>>
    tpu.enqueue_indirect_dma source(%dma_start3A_52 : memref<501760x128xf32, #tpu.memory_space<hbm>>) target(%dma_start3A_46 : memref<128x128xf32, #tpu.memory_space<vmem>>) offsets(%dma_start3A_49 : memref<128xi32, #tpu.memory_space<vmem>>) semaphore(%arg9 : memref<!tpu.dma_semaphore, #tpu.memory_space<semaphore_mem>>)
    %dma_start3A_53 = arith.constant 3 : i32
    %dma_start3A_54 = arith.constant 384 : i32
    %dma_start3A_55 = arith.constant 0 : i32
    %dma_start3A_56 = tpu.memref_slice %arg8[%dma_start3A_54, %dma_start3A_55] : memref<512x128xf32, #tpu.memory_space<vmem>> -> memref<128x128xf32, #tpu.memory_space<vmem>>
    %dma_start3A_57 = arith.constant 0 : i32
    %dma_start3A_58 = tpu.memref_slice %arg6[%dma_start3A_53, %dma_start3A_57] : memref<4x128xi32, #tpu.memory_space<vmem>> -> memref<1x128xi32, #tpu.memory_space<vmem>>
    %dma_start3A_59 = tpu.memref_squeeze %dma_start3A_58 : memref<1x128xi32, #tpu.memory_space<vmem>> -> memref<128xi32, #tpu.memory_space<vmem>>
    %dma_start3A_60 = arith.constant 0 : i32
    %dma_start3A_61 = arith.constant 0 : i32
    %dma_start3A_62 = tpu.memref_slice %arg4[%dma_start3A_60, %dma_start3A_61] : memref<501760x128xf32, #tpu.memory_space<hbm>> -> memref<501760x128xf32, #tpu.memory_space<hbm>>
    tpu.enqueue_indirect_dma source(%dma_start3A_62 : memref<501760x128xf32, #tpu.memory_space<hbm>>) target(%dma_start3A_56 : memref<128x128xf32, #tpu.memory_space<vmem>>) offsets(%dma_start3A_59 : memref<128xi32, #tpu.memory_space<vmem>>) semaphore(%arg9 : memref<!tpu.dma_semaphore, #tpu.memory_space<semaphore_mem>>)
    %dma_wait3A = arith.constant 0 : i32
    %dma_wait3A_63 = arith.constant 0 : i32
    %dma_wait3A_64 = arith.constant 0 : i32
    %dma_wait3A_65 = tpu.memref_slice %arg8[%dma_wait3A_63, %dma_wait3A_64] : memref<512x128xf32, #tpu.memory_space<vmem>> -> memref<128x128xf32, #tpu.memory_space<vmem>>
    %dma_wait3A_66 = arith.constant 0 : i32
    %dma_wait3A_67 = tpu.memref_slice %arg6[%dma_wait3A, %dma_wait3A_66] : memref<4x128xi32, #tpu.memory_space<vmem>> -> memref<1x128xi32, #tpu.memory_space<vmem>>
    %dma_wait3A_68 = tpu.memref_squeeze %dma_wait3A_67 : memref<1x128xi32, #tpu.memory_space<vmem>> -> memref<128xi32, #tpu.memory_space<vmem>>
    %dma_wait3A_69 = arith.constant 0 : i32
    %dma_wait3A_70 = arith.constant 0 : i32
    %dma_wait3A_71 = tpu.memref_slice %arg4[%dma_wait3A_69, %dma_wait3A_70] : memref<501760x128xf32, #tpu.memory_space<hbm>> -> memref<501760x128xf32, #tpu.memory_space<hbm>>
    tpu.wait_indirect_dma semaphore(%arg9 : memref<!tpu.dma_semaphore, #tpu.memory_space<semaphore_mem>>) src(%dma_wait3A_71 : memref<501760x128xf32, #tpu.memory_space<hbm>>) dst(%dma_wait3A_65 : memref<128x128xf32, #tpu.memory_space<vmem>>)
    %dma_wait3A_72 = arith.constant 1 : i32
    %dma_wait3A_73 = arith.constant 128 : i32
    %dma_wait3A_74 = arith.constant 0 : i32
    %dma_wait3A_75 = tpu.memref_slice %arg8[%dma_wait3A_73, %dma_wait3A_74] : memref<512x128xf32, #tpu.memory_space<vmem>> -> memref<128x128xf32, #tpu.memory_space<vmem>>
    %dma_wait3A_76 = arith.constant 0 : i32
    %dma_wait3A_77 = tpu.memref_slice %arg6[%dma_wait3A_72, %dma_wait3A_76] : memref<4x128xi32, #tpu.memory_space<vmem>> -> memref<1x128xi32, #tpu.memory_space<vmem>>
    %dma_wait3A_78 = tpu.memref_squeeze %dma_wait3A_77 : memref<1x128xi32, #tpu.memory_space<vmem>> -> memref<128xi32, #tpu.memory_space<vmem>>
    %dma_wait3A_79 = arith.constant 0 : i32
    %dma_wait3A_80 = arith.constant 0 : i32
    %dma_wait3A_81 = tpu.memref_slice %arg4[%dma_wait3A_79, %dma_wait3A_80] : memref<501760x128xf32, #tpu.memory_space<hbm>> -> memref<501760x128xf32, #tpu.memory_space<hbm>>
    tpu.wait_indirect_dma semaphore(%arg9 : memref<!tpu.dma_semaphore, #tpu.memory_space<semaphore_mem>>) src(%dma_wait3A_81 : memref<501760x128xf32, #tpu.memory_space<hbm>>) dst(%dma_wait3A_75 : memref<128x128xf32, #tpu.memory_space<vmem>>)
    %dma_wait3A_82 = arith.constant 2 : i32
    %dma_wait3A_83 = arith.constant 256 : i32
    %dma_wait3A_84 = arith.constant 0 : i32
    %dma_wait3A_85 = tpu.memref_slice %arg8[%dma_wait3A_83, %dma_wait3A_84] : memref<512x128xf32, #tpu.memory_space<vmem>> -> memref<128x128xf32, #tpu.memory_space<vmem>>
    %dma_wait3A_86 = arith.constant 0 : i32
    %dma_wait3A_87 = tpu.memref_slice %arg6[%dma_wait3A_82, %dma_wait3A_86] : memref<4x128xi32, #tpu.memory_space<vmem>> -> memref<1x128xi32, #tpu.memory_space<vmem>>
    %dma_wait3A_88 = tpu.memref_squeeze %dma_wait3A_87 : memref<1x128xi32, #tpu.memory_space<vmem>> -> memref<128xi32, #tpu.memory_space<vmem>>
    %dma_wait3A_89 = arith.constant 0 : i32
    %dma_wait3A_90 = arith.constant 0 : i32
    %dma_wait3A_91 = tpu.memref_slice %arg4[%dma_wait3A_89, %dma_wait3A_90] : memref<501760x128xf32, #tpu.memory_space<hbm>> -> memref<501760x128xf32, #tpu.memory_space<hbm>>
    tpu.wait_indirect_dma semaphore(%arg9 : memref<!tpu.dma_semaphore, #tpu.memory_space<semaphore_mem>>) src(%dma_wait3A_91 : memref<501760x128xf32, #tpu.memory_space<hbm>>) dst(%dma_wait3A_85 : memref<128x128xf32, #tpu.memory_space<vmem>>)
    %dma_wait3A_92 = arith.constant 3 : i32
    %dma_wait3A_93 = arith.constant 384 : i32
    %dma_wait3A_94 = arith.constant 0 : i32
    %dma_wait3A_95 = tpu.memref_slice %arg8[%dma_wait3A_93, %dma_wait3A_94] : memref<512x128xf32, #tpu.memory_space<vmem>> -> memref<128x128xf32, #tpu.memory_space<vmem>>
    %dma_wait3A_96 = arith.constant 0 : i32
    %dma_wait3A_97 = tpu.memref_slice %arg6[%dma_wait3A_92, %dma_wait3A_96] : memref<4x128xi32, #tpu.memory_space<vmem>> -> memref<1x128xi32, #tpu.memory_space<vmem>>
    %dma_wait3A_98 = tpu.memref_squeeze %dma_wait3A_97 : memref<1x128xi32, #tpu.memory_space<vmem>> -> memref<128xi32, #tpu.memory_space<vmem>>
    %dma_wait3A_99 = arith.constant 0 : i32
    %dma_wait3A_100 = arith.constant 0 : i32
    %dma_wait3A_101 = tpu.memref_slice %arg4[%dma_wait3A_99, %dma_wait3A_100] : memref<501760x128xf32, #tpu.memory_space<hbm>> -> memref<501760x128xf32, #tpu.memory_space<hbm>>
    tpu.wait_indirect_dma semaphore(%arg9 : memref<!tpu.dma_semaphore, #tpu.memory_space<semaphore_mem>>) src(%dma_wait3A_101 : memref<501760x128xf32, #tpu.memory_space<hbm>>) dst(%dma_wait3A_95 : memref<128x128xf32, #tpu.memory_space<vmem>>)
    "tpu.region"() ({
      %run_scoped3A = tpu.sem_alloc : memref<!tpu.dma_semaphore, #tpu.memory_space<semaphore_mem>>
      %dma_start3A_102 = arith.constant 0 : i32
      %dma_start3A_103 = tpu.memref_slice %arg5[%mul3A_4, %dma_start3A_102] : memref<16384x128xf32, #tpu.memory_space<hbm>> -> memref<512x128xf32, #tpu.memory_space<hbm>>
      %dma_start3A_104 = arith.constant 0 : i32
      %dma_start3A_105 = tpu.memref_slice %arg5[%mul3A_4, %dma_start3A_104] : memref<16384x128xf32, #tpu.memory_space<hbm>> -> memref<512x128xf32, #tpu.memory_space<hbm>>
      tpu.enqueue_dma source(%arg8 : memref<512x128xf32, #tpu.memory_space<vmem>>) target(%dma_start3A_105 : memref<512x128xf32, #tpu.memory_space<hbm>>) target_semaphore(%run_scoped3A : memref<!tpu.dma_semaphore, #tpu.memory_space<semaphore_mem>>)
      %dma_wait3A_106 = arith.constant 0 : i32
      %dma_wait3A_107 = tpu.memref_slice %arg5[%mul3A_4, %dma_wait3A_106] : memref<16384x128xf32, #tpu.memory_space<hbm>> -> memref<512x128xf32, #tpu.memory_space<hbm>>
      %dma_wait3A_108 = arith.constant 0 : i32
      %dma_wait3A_109 = tpu.memref_slice %arg5[%mul3A_4, %dma_wait3A_108] : memref<16384x128xf32, #tpu.memory_space<hbm>> -> memref<512x128xf32, #tpu.memory_space<hbm>>
      tpu.wait_dma2 semaphore(%run_scoped3A : memref<!tpu.dma_semaphore, #tpu.memory_space<semaphore_mem>>) src(%arg8 : memref<512x128xf32, #tpu.memory_space<vmem>>) dst(%dma_wait3A_109 : memref<512x128xf32, #tpu.memory_space<hbm>>)
      tpu.yield
    }) : () -> ()
    return
  }
}

module attributes {stable_mosaic.version = 14 : i64} {
  func.func @_fmt2_body(%arg0: i32, %arg1: i32, %arg2: memref<64x1024xf32, #tpu.memory_space<vmem>>, %arg3: memref<64x1024xf32, #tpu.memory_space<vmem>>, %arg4: memref<64x64xf32, #tpu.memory_space<vmem>>, %arg5: memref<1x64xf32, #tpu.memory_space<vmem>>, %arg6: memref<1x1024x128xf32, #tpu.memory_space<vmem>>) attributes {dimension_semantics = [#tpu.dimension_semantics<arbitrary>, #tpu.dimension_semantics<arbitrary>], iteration_bounds = array<i64: 10, 49>, scalar_prefetch = 0 : i64, scratch_operands = 0 : i64, tpu.core_type = #tpu.core_type<tc>, window_params = [{transform_indices = @transform_0, window_bounds = array<i64: 64, 1024>}, {transform_indices = @transform_1, window_bounds = array<i64: 64, 1024>}, {pipeline_mode = #tpu.pipeline_mode<synchronous>, transform_indices = @transform_2, window_bounds = array<i64: 64, 64>}, {pipeline_mode = #tpu.pipeline_mode<synchronous>, transform_indices = @transform_3, window_bounds = array<i64: 1, 64>}, {transform_indices = @transform_4, window_bounds = array<i64: 1, 1024, 128>}]} {
    %get3A = arith.constant 0 : index
    %get3A_0 = arith.constant 0 : index
    %get3A_1 = vector.load %arg5[%get3A, %get3A_0] : memref<1x64xf32, #tpu.memory_space<vmem>>, vector<1x64xf32>
    %get3A_2 = arith.constant 0 : index
    %get3A_3 = arith.constant 0 : index
    %get3A_4 = vector.load %arg2[%get3A_2, %get3A_3] : memref<64x1024xf32, #tpu.memory_space<vmem>>, vector<64x1024xf32>
    %get3A_5 = arith.constant 0 : index
    %get3A_6 = arith.constant 0 : index
    %get3A_7 = vector.load %arg4[%get3A_5, %get3A_6] : memref<64x64xf32, #tpu.memory_space<vmem>>, vector<64x64xf32>
    %convert_element_type3A = arith.truncf %get3A_4 : vector<64x1024xf32> to vector<64x1024xbf16>
    %convert_element_type3A_8 = arith.truncf %get3A_7 : vector<64x64xf32> to vector<64x64xbf16>
    %dot_general3A = arith.constant dense<0.000000e+00> : vector<1024x64xf32>
    %dot_general3A_9 = tpu.matmul %convert_element_type3A, %convert_element_type3A_8, %dot_general3A {dimension_numbers = #tpu.dot_dimension_numbers<[0], [1], [1], [0], [0, 1, 1, 0], [], []>, transpose_lhs_hint = false} : vector<64x1024xbf16>, vector<64x64xbf16>, vector<1024x64xf32> -> vector<1024x64xf32>
    %add3A = vector.broadcast %get3A_1 : vector<1x64xf32> to vector<1024x64xf32>
    %add3A_10 = arith.addf %dot_general3A_9, %add3A : vector<1024x64xf32>
    %get3A_11 = arith.constant 0 : index
    %get3A_12 = arith.constant 0 : index
    %get3A_13 = vector.load %arg3[%get3A_11, %get3A_12] : memref<64x1024xf32, #tpu.memory_space<vmem>>, vector<64x1024xf32>
    %get3A_14 = arith.constant 0 : index
    %get3A_15 = arith.constant 0 : index
    %get3A_16 = vector.load %arg4[%get3A_14, %get3A_15] : memref<64x64xf32, #tpu.memory_space<vmem>>, vector<64x64xf32>
    %convert_element_type3A_17 = arith.truncf %get3A_13 : vector<64x1024xf32> to vector<64x1024xbf16>
    %convert_element_type3A_18 = arith.truncf %get3A_16 : vector<64x64xf32> to vector<64x64xbf16>
    %dot_general3A_19 = arith.constant dense<0.000000e+00> : vector<1024x64xf32>
    %dot_general3A_20 = tpu.matmul %convert_element_type3A_17, %convert_element_type3A_18, %dot_general3A_19 {dimension_numbers = #tpu.dot_dimension_numbers<[0], [1], [1], [0], [0, 1, 1, 0], [], []>, transpose_lhs_hint = false} : vector<64x1024xbf16>, vector<64x64xbf16>, vector<1024x64xf32> -> vector<1024x64xf32>
    %add3A_21 = vector.broadcast %get3A_1 : vector<1x64xf32> to vector<1024x64xf32>
    %add3A_22 = arith.addf %dot_general3A_20, %add3A_21 : vector<1024x64xf32>
    %concatenate3A = tpu.concatenate %add3A_10, %add3A_22 in 1 : vector<1024x64xf32>, vector<1024x64xf32> -> vector<1024x128xf32>
    %broadcast_in_dim3A = vector.shape_cast %concatenate3A : vector<1024x128xf32> to vector<1x1024x128xf32>
    %swap3A = arith.constant 0 : index
    %swap3A_23 = arith.constant 0 : index
    %swap3A_24 = arith.constant 0 : index
    %swap3A_25 = vector.load %arg6[%swap3A, %swap3A_23, %swap3A_24] : memref<1x1024x128xf32, #tpu.memory_space<vmem>>, vector<1x1024x128xf32>
    tpu.vector_store %arg6[%swap3A, %swap3A_23, %swap3A_24], %broadcast_in_dim3A {strides = array<i32>} : memref<1x1024x128xf32, #tpu.memory_space<vmem>>, vector<1x1024x128xf32>,
    return
  }
  func.func @transform_0(%arg0: i32, %arg1: i32) -> (i32, i32) {
    %c0_i32 = arith.constant 0 : i32
    return %arg0, %arg1 : i32, i32
  }
  func.func @transform_1(%arg0: i32, %arg1: i32) -> (i32, i32) {
    %add3A = arith.constant 49 : i32
    %add3A_0 = arith.addi %add3A, %arg1 : i32
    %c0_i32 = arith.constant 0 : i32
    return %arg0, %add3A_0 : i32, i32
  }
  func.func @transform_2(%arg0: i32, %arg1: i32) -> (i32, i32) {
    %c0_i32 = arith.constant 0 : i32
    %c0_i32_0 = arith.constant 0 : i32
    %c0_i32_1 = arith.constant 0 : i32
    return %c0_i32, %c0_i32_0 : i32, i32
  }
  func.func @transform_3(%arg0: i32, %arg1: i32) -> (i32, i32) {
    %c0_i32 = arith.constant 0 : i32
    %c0_i32_0 = arith.constant 0 : i32
    %c0_i32_1 = arith.constant 0 : i32
    return %c0_i32, %c0_i32_0 : i32, i32
  }
  func.func @transform_4(%arg0: i32, %arg1: i32) -> (i32, i32, i32) {
    %c0_i32 = arith.constant 0 : i32
    %c0_i32_0 = arith.constant 0 : i32
    return %arg0, %arg1, %c0_i32 : i32, i32, i32
  }
}

module attributes {stable_mosaic.version = 14 : i64} {
  func.func @_fmt1_body(%arg0: i32, %arg1: memref<64x1024xf32, #tpu.memory_space<vmem>>, %arg2: memref<64x1024xf32, #tpu.memory_space<vmem>>, %arg3: memref<64x64xf32, #tpu.memory_space<vmem>>, %arg4: memref<1x64xf32, #tpu.memory_space<vmem>>, %arg5: memref<64x1xf32, #tpu.memory_space<vmem>>, %arg6: memref<64x1xf32, #tpu.memory_space<vmem>>, %arg7: memref<1024x128xf32, #tpu.memory_space<vmem>>) attributes {dimension_semantics = [#tpu.dimension_semantics<arbitrary>], iteration_bounds = array<i64: 49>, scalar_prefetch = 0 : i64, scratch_operands = 0 : i64, tpu.core_type = #tpu.core_type<tc>, window_params = [{transform_indices = @transform_0, window_bounds = array<i64: 64, 1024>}, {transform_indices = @transform_1, window_bounds = array<i64: 64, 1024>}, {pipeline_mode = #tpu.pipeline_mode<synchronous>, transform_indices = @transform_2, window_bounds = array<i64: 64, 64>}, {pipeline_mode = #tpu.pipeline_mode<synchronous>, transform_indices = @transform_3, window_bounds = array<i64: 1, 64>}, {pipeline_mode = #tpu.pipeline_mode<synchronous>, transform_indices = @transform_4, window_bounds = array<i64: 64, 1>}, {pipeline_mode = #tpu.pipeline_mode<synchronous>, transform_indices = @transform_5, window_bounds = array<i64: 64, 1>}, {transform_indices = @transform_6, window_bounds = array<i64: 1024, 128>}]} {
    %get3A = arith.constant 0 : index
    %get3A_0 = arith.constant 0 : index
    %get3A_1 = vector.load %arg5[%get3A, %get3A_0] : memref<64x1xf32, #tpu.memory_space<vmem>>, vector<64x1xf32>
    %get3A_2 = arith.constant 0 : index
    %get3A_3 = arith.constant 0 : index
    %get3A_4 = vector.load %arg6[%get3A_2, %get3A_3] : memref<64x1xf32, #tpu.memory_space<vmem>>, vector<64x1xf32>
    %mul3A = arith.mulf %get3A_1, %get3A_1 : vector<64x1xf32>
    %sub3A = arith.subf %get3A_4, %mul3A : vector<64x1xf32>
    %max3A = arith.constant 9.99999993E-9 : f32
    %max3A_5 = vector.broadcast %max3A : f32 to vector<64x1xf32>
    %max3A_6 = arith.maximumf %max3A_5, %sub3A : vector<64x1xf32>
    %sqrt3A = math.sqrt %max3A_6 : vector<64x1xf32>
    %get3A_7 = arith.constant 0 : index
    %get3A_8 = arith.constant 0 : index
    %get3A_9 = vector.load %arg1[%get3A_7, %get3A_8] : memref<64x1024xf32, #tpu.memory_space<vmem>>, vector<64x1024xf32>
    %sub3A_10 = vector.broadcast %get3A_1 : vector<64x1xf32> to vector<64x1024xf32>
    %sub3A_11 = arith.subf %get3A_9, %sub3A_10 : vector<64x1024xf32>
    %div3A = vector.broadcast %sqrt3A : vector<64x1xf32> to vector<64x1024xf32>
    %div3A_12 = arith.divf %sub3A_11, %div3A : vector<64x1024xf32>
    %get3A_13 = arith.constant 0 : index
    %get3A_14 = arith.constant 0 : index
    %get3A_15 = vector.load %arg2[%get3A_13, %get3A_14] : memref<64x1024xf32, #tpu.memory_space<vmem>>, vector<64x1024xf32>
    %sub3A_16 = vector.broadcast %get3A_1 : vector<64x1xf32> to vector<64x1024xf32>
    %sub3A_17 = arith.subf %get3A_15, %sub3A_16 : vector<64x1024xf32>
    %div3A_18 = vector.broadcast %sqrt3A : vector<64x1xf32> to vector<64x1024xf32>
    %div3A_19 = arith.divf %sub3A_17, %div3A_18 : vector<64x1024xf32>
    %get3A_20 = arith.constant 0 : index
    %get3A_21 = arith.constant 0 : index
    %get3A_22 = vector.load %arg4[%get3A_20, %get3A_21] : memref<1x64xf32, #tpu.memory_space<vmem>>, vector<1x64xf32>
    %get3A_23 = arith.constant 0 : index
    %get3A_24 = arith.constant 0 : index
    %get3A_25 = vector.load %arg3[%get3A_23, %get3A_24] : memref<64x64xf32, #tpu.memory_space<vmem>>, vector<64x64xf32>
    %convert_element_type3A = arith.truncf %div3A_12 : vector<64x1024xf32> to vector<64x1024xbf16>
    %convert_element_type3A_26 = arith.truncf %get3A_25 : vector<64x64xf32> to vector<64x64xbf16>
    %dot_general3A = arith.constant dense<0.000000e+00> : vector<1024x64xf32>
    %dot_general3A_27 = tpu.matmul %convert_element_type3A, %convert_element_type3A_26, %dot_general3A {dimension_numbers = #tpu.dot_dimension_numbers<[0], [1], [1], [0], [0, 1, 1, 0], [], []>, transpose_lhs_hint = false} : vector<64x1024xbf16>, vector<64x64xbf16>, vector<1024x64xf32> -> vector<1024x64xf32>
    %mul3A_28 = arith.constant 1.250000e-01 : f32
    %mul3A_29 = vector.broadcast %mul3A_28 : f32 to vector<1024x64xf32>
    %mul3A_30 = arith.mulf %dot_general3A_27, %mul3A_29 : vector<1024x64xf32>
    %add3A = vector.broadcast %get3A_22 : vector<1x64xf32> to vector<1024x64xf32>
    %add3A_31 = arith.addf %mul3A_30, %add3A : vector<1024x64xf32>
    %get3A_32 = arith.constant 0 : index
    %get3A_33 = arith.constant 0 : index
    %get3A_34 = vector.load %arg3[%get3A_32, %get3A_33] : memref<64x64xf32, #tpu.memory_space<vmem>>, vector<64x64xf32>
    %convert_element_type3A_35 = arith.truncf %div3A_19 : vector<64x1024xf32> to vector<64x1024xbf16>
    %convert_element_type3A_36 = arith.truncf %get3A_34 : vector<64x64xf32> to vector<64x64xbf16>
    %dot_general3A_37 = arith.constant dense<0.000000e+00> : vector<1024x64xf32>
    %dot_general3A_38 = tpu.matmul %convert_element_type3A_35, %convert_element_type3A_36, %dot_general3A_37 {dimension_numbers = #tpu.dot_dimension_numbers<[0], [1], [1], [0], [0, 1, 1, 0], [], []>, transpose_lhs_hint = false} : vector<64x1024xbf16>, vector<64x64xbf16>, vector<1024x64xf32> -> vector<1024x64xf32>
    %mul3A_39 = arith.constant 1.250000e-01 : f32
    %mul3A_40 = vector.broadcast %mul3A_39 : f32 to vector<1024x64xf32>
    %mul3A_41 = arith.mulf %dot_general3A_38, %mul3A_40 : vector<1024x64xf32>
    %add3A_42 = vector.broadcast %get3A_22 : vector<1x64xf32> to vector<1024x64xf32>
    %add3A_43 = arith.addf %mul3A_41, %add3A_42 : vector<1024x64xf32>
    %concatenate3A = tpu.concatenate %add3A_31, %add3A_43 in 1 : vector<1024x64xf32>, vector<1024x64xf32> -> vector<1024x128xf32>
    %swap3A = arith.constant 0 : index
    %swap3A_44 = arith.constant 0 : index
    %swap3A_45 = vector.load %arg7[%swap3A, %swap3A_44] : memref<1024x128xf32, #tpu.memory_space<vmem>>, vector<1024x128xf32>
    tpu.vector_store %arg7[%swap3A, %swap3A_44], %concatenate3A {strides = array<i32>} : memref<1024x128xf32, #tpu.memory_space<vmem>>, vector<1024x128xf32>,
    return
  }
  func.func @transform_0(%arg0: i32) -> (i32, i32) {
    %c0_i32 = arith.constant 0 : i32
    %c0_i32_0 = arith.constant 0 : i32
    return %c0_i32, %arg0 : i32, i32
  }
  func.func @transform_1(%arg0: i32) -> (i32, i32) {
    %add3A = arith.constant 49 : i32
    %add3A_0 = arith.addi %add3A, %arg0 : i32
    %c0_i32 = arith.constant 0 : i32
    %c0_i32_1 = arith.constant 0 : i32
    return %c0_i32, %add3A_0 : i32, i32
  }
  func.func @transform_2(%arg0: i32) -> (i32, i32) {
    %c0_i32 = arith.constant 0 : i32
    %c0_i32_0 = arith.constant 0 : i32
    %c0_i32_1 = arith.constant 0 : i32
    return %c0_i32, %c0_i32_0 : i32, i32
  }
  func.func @transform_3(%arg0: i32) -> (i32, i32) {
    %c0_i32 = arith.constant 0 : i32
    %c0_i32_0 = arith.constant 0 : i32
    %c0_i32_1 = arith.constant 0 : i32
    return %c0_i32, %c0_i32_0 : i32, i32
  }
  func.func @transform_4(%arg0: i32) -> (i32, i32) {
    %c0_i32 = arith.constant 0 : i32
    %c0_i32_0 = arith.constant 0 : i32
    %c0_i32_1 = arith.constant 0 : i32
    return %c0_i32, %c0_i32_0 : i32, i32
  }
  func.func @transform_5(%arg0: i32) -> (i32, i32) {
    %c0_i32 = arith.constant 0 : i32
    %c0_i32_0 = arith.constant 0 : i32
    %c0_i32_1 = arith.constant 0 : i32
    return %c0_i32, %c0_i32_0 : i32, i32
  }
  func.func @transform_6(%arg0: i32) -> (i32, i32) {
    %c0_i32 = arith.constant 0 : i32
    %c0_i32_0 = arith.constant 0 : i32
    return %arg0, %c0_i32 : i32, i32
  }
}

module attributes {stable_mosaic.version = 14 : i64} {
  func.func @_dense_body(%arg0: i32, %arg1: memref<2048x128xf32, #tpu.memory_space<vmem>>, %arg2: memref<2048x128xf32, #tpu.memory_space<vmem>>, %arg3: memref<1x1x2048xi32, #tpu.memory_space<vmem>>, %arg4: memref<1x1x2048xi32, #tpu.memory_space<vmem>>, %arg5: memref<1x1x2048xi32, #tpu.memory_space<vmem>>, %arg6: memref<64x10xf32, #tpu.memory_space<vmem>>, %arg7: memref<2048x12xf32, #tpu.memory_space<vmem>>) attributes {dimension_semantics = [#tpu.dimension_semantics<arbitrary>], iteration_bounds = array<i64: 8>, scalar_prefetch = 0 : i64, scratch_operands = 0 : i64, tpu.core_type = #tpu.core_type<tc>, window_params = [{transform_indices = @transform_0, window_bounds = array<i64: 2048, 128>}, {transform_indices = @transform_1, window_bounds = array<i64: 2048, 128>}, {transform_indices = @transform_2, window_bounds = array<i64: 1, 1, 2048>}, {transform_indices = @transform_3, window_bounds = array<i64: 1, 1, 2048>}, {transform_indices = @transform_4, window_bounds = array<i64: 1, 1, 2048>}, {pipeline_mode = #tpu.pipeline_mode<synchronous>, transform_indices = @transform_5, window_bounds = array<i64: 64, 10>}, {transform_indices = @transform_6, window_bounds = array<i64: 2048, 12>}]} {
    %get3A = arith.constant 0 : index
    %get3A_0 = arith.constant 0 : index
    %get3A_1 = vector.load %arg1[%get3A, %get3A_0] : memref<2048x128xf32, #tpu.memory_space<vmem>>, vector<2048x128xf32>
    %get3A_2 = arith.constant 0 : index
    %get3A_3 = arith.constant 0 : index
    %get3A_4 = vector.load %arg2[%get3A_2, %get3A_3] : memref<2048x128xf32, #tpu.memory_space<vmem>>, vector<2048x128xf32>
    %get3A_5 = arith.constant 0 : index
    %get3A_6 = arith.constant 0 : index
    %get3A_7 = vector.load %arg6[%get3A_5, %get3A_6] : memref<64x10xf32, #tpu.memory_space<vmem>>, vector<64x10xf32>
    %get3A_8 = arith.constant 0 : index
    %get3A_9 = arith.constant 0 : index
    %get3A_10 = arith.constant 0 : index
    %get3A_11 = vector.load %arg3[%get3A_8, %get3A_9, %get3A_10] : memref<1x1x2048xi32, #tpu.memory_space<vmem>>, vector<1x1x2048xi32>
    %get3A_12 = vector.shape_cast %get3A_11 : vector<1x1x2048xi32> to vector<2048xi32>
    %get3A_13 = arith.constant 0 : index
    %get3A_14 = arith.constant 0 : index
    %get3A_15 = arith.constant 0 : index
    %get3A_16 = vector.load %arg4[%get3A_13, %get3A_14, %get3A_15] : memref<1x1x2048xi32, #tpu.memory_space<vmem>>, vector<1x1x2048xi32>
    %get3A_17 = vector.shape_cast %get3A_16 : vector<1x1x2048xi32> to vector<2048xi32>
    %get3A_18 = arith.constant 0 : index
    %get3A_19 = arith.constant 0 : index
    %get3A_20 = arith.constant 0 : index
    %get3A_21 = vector.load %arg5[%get3A_18, %get3A_19, %get3A_20] : memref<1x1x2048xi32, #tpu.memory_space<vmem>>, vector<1x1x2048xi32>
    %get3A_22 = vector.shape_cast %get3A_21 : vector<1x1x2048xi32> to vector<2048xi32>
    %broadcast_in_dim3A = vector.shape_cast %get3A_12 : vector<2048xi32> to vector<2048x1xi32>
    %ge3A = arith.constant 50176 : i32
    %ge3A_23 = vector.broadcast %ge3A : i32 to vector<2048x1xi32>
    %ge3A_24 = arith.cmpi sge, %broadcast_in_dim3A, %ge3A_23 : vector<2048x1xi32>
    %slice3A = vector.extract_strided_slice %get3A_1 {offsets = [0, 64], sizes = [2048, 64], strides = [1, 1]} : vector<2048x128xf32> to vector<2048x64xf32>
    %slice3A_25 = vector.extract_strided_slice %get3A_1 {offsets = [0, 0], sizes = [2048, 64], strides = [1, 1]} : vector<2048x128xf32> to vector<2048x64xf32>
    %broadcast_in_dim3A_26 = vector.shape_cast %ge3A_24 : vector<2048x1xi1> to vector<2048x1xi1>
    %broadcast_in_dim3A_27 = vector.broadcast %broadcast_in_dim3A_26 : vector<2048x1xi1> to vector<2048x64xi1>
    %select_n3A = arith.select %broadcast_in_dim3A_27, %slice3A, %slice3A_25 : vector<2048x64xi1>, vector<2048x64xf32>
    %broadcast_in_dim3A_28 = vector.shape_cast %get3A_22 : vector<2048xi32> to vector<2048x1xi32>
    %ge3A_29 = arith.constant 50176 : i32
    %ge3A_30 = vector.broadcast %ge3A_29 : i32 to vector<2048x1xi32>
    %ge3A_31 = arith.cmpi sge, %broadcast_in_dim3A_28, %ge3A_30 : vector<2048x1xi32>
    %slice3A_32 = vector.extract_strided_slice %get3A_4 {offsets = [0, 64], sizes = [2048, 64], strides = [1, 1]} : vector<2048x128xf32> to vector<2048x64xf32>
    %slice3A_33 = vector.extract_strided_slice %get3A_4 {offsets = [0, 0], sizes = [2048, 64], strides = [1, 1]} : vector<2048x128xf32> to vector<2048x64xf32>
    %broadcast_in_dim3A_34 = vector.shape_cast %ge3A_31 : vector<2048x1xi1> to vector<2048x1xi1>
    %broadcast_in_dim3A_35 = vector.broadcast %broadcast_in_dim3A_34 : vector<2048x1xi1> to vector<2048x64xi1>
    %select_n3A_36 = arith.select %broadcast_in_dim3A_35, %slice3A_32, %slice3A_33 : vector<2048x64xi1>, vector<2048x64xf32>
    %cos3A = math.cos %select_n3A : vector<2048x64xf32>
    %convert_element_type3A = arith.truncf %cos3A : vector<2048x64xf32> to vector<2048x64xbf16>
    %convert_element_type3A_37 = arith.truncf %get3A_7 : vector<64x10xf32> to vector<64x10xbf16>
    %dot_general3A = arith.constant dense<0.000000e+00> : vector<2048x10xf32>
    %dot_general3A_38 = tpu.matmul %convert_element_type3A, %convert_element_type3A_37, %dot_general3A {dimension_numbers = #tpu.dot_dimension_numbers<[1], [0], [0], [1], [0, 0, 1, 1], [], []>, transpose_lhs_hint = false} : vector<2048x64xbf16>, vector<64x10xbf16>, vector<2048x10xf32> -> vector<2048x10xf32>
    %reduce_max3A = arith.constant dense<0xFF800000> : vector<2048xf32>
    %reduce_max3A_39 = vector.multi_reduction <maximumf>, %dot_general3A_38, %reduce_max3A [1] : vector<2048x10xf32> to vector<2048xf32>
    %broadcast_in_dim3A_40 = vector.shape_cast %reduce_max3A_39 : vector<2048xf32> to vector<2048x1xf32>
    %sub3A = vector.broadcast %broadcast_in_dim3A_40 : vector<2048x1xf32> to vector<2048x10xf32>
    %sub3A_41 = arith.subf %dot_general3A_38, %sub3A : vector<2048x10xf32>
    %exp3A = math.exp %sub3A_41 : vector<2048x10xf32>
    %reduce_sum3A = arith.constant dense<0.000000e+00> : vector<2048xf32>
    %reduce_sum3A_42 = vector.multi_reduction <add>, %exp3A, %reduce_sum3A [1] : vector<2048x10xf32> to vector<2048xf32>
    %broadcast_in_dim3A_43 = vector.shape_cast %reduce_sum3A_42 : vector<2048xf32> to vector<2048x1xf32>
    %div3A = vector.broadcast %broadcast_in_dim3A_43 : vector<2048x1xf32> to vector<2048x10xf32>
    %div3A_44 = arith.divf %exp3A, %div3A : vector<2048x10xf32>
    %iota3A = tpu.iota {dimensions = array<i32: 1>} : vector<2048x10xi32>
    %broadcast_in_dim3A_45 = vector.shape_cast %get3A_17 : vector<2048xi32> to vector<2048x1xi32>
    %eq3A = vector.broadcast %broadcast_in_dim3A_45 : vector<2048x1xi32> to vector<2048x10xi32>
    %eq3A_46 = arith.cmpi eq, %iota3A, %eq3A : vector<2048x10xi32>
    %jit3A = arith.constant 0.000000e+00 : f32
    %broadcast_in_dim3A_47 = vector.broadcast %jit3A : f32 to vector<2048x10xf32>
    %select_n3A_48 = arith.select %eq3A_46, %div3A_44, %broadcast_in_dim3A_47 : vector<2048x10xi1>, vector<2048x10xf32>
    %reduce_sum3A_49 = arith.constant dense<0.000000e+00> : vector<2048xf32>
    %reduce_sum3A_50 = vector.multi_reduction <add>, %select_n3A_48, %reduce_sum3A_49 [1] : vector<2048x10xf32> to vector<2048xf32>
    %cos3A_51 = math.cos %select_n3A_36 : vector<2048x64xf32>
    %mul3A = arith.mulf %cos3A, %cos3A_51 : vector<2048x64xf32>
    %reduce_sum3A_52 = arith.constant dense<0.000000e+00> : vector<2048xf32>
    %reduce_sum3A_53 = vector.multi_reduction <add>, %mul3A, %reduce_sum3A_52 [1] : vector<2048x64xf32> to vector<2048xf32>
    %mul3A_54 = arith.constant 0.176776692 : f32
    %mul3A_55 = vector.broadcast %mul3A_54 : f32 to vector<2048xf32>
    %mul3A_56 = arith.mulf %mul3A_55, %reduce_sum3A_53 : vector<2048xf32>
    %broadcast_in_dim3A_57 = vector.shape_cast %reduce_sum3A_50 : vector<2048xf32> to vector<2048x1xf32>
    %broadcast_in_dim3A_58 = vector.shape_cast %mul3A_56 : vector<2048xf32> to vector<2048x1xf32>
    %concatenate3A = tpu.concatenate %div3A_44, %broadcast_in_dim3A_57, %broadcast_in_dim3A_58 in 1 : vector<2048x10xf32>, vector<2048x1xf32>, vector<2048x1xf32> -> vector<2048x12xf32>
    %swap3A = arith.constant 0 : index
    %swap3A_59 = arith.constant 0 : index
    %swap3A_60 = vector.load %arg7[%swap3A, %swap3A_59] : memref<2048x12xf32, #tpu.memory_space<vmem>>, vector<2048x12xf32>
    tpu.vector_store %arg7[%swap3A, %swap3A_59], %concatenate3A {strides = array<i32>} : memref<2048x12xf32, #tpu.memory_space<vmem>>, vector<2048x12xf32>,
    return
  }
  func.func @transform_0(%arg0: i32) -> (i32, i32) {
    %c0_i32 = arith.constant 0 : i32
    %c0_i32_0 = arith.constant 0 : i32
    return %arg0, %c0_i32 : i32, i32
  }
  func.func @transform_1(%arg0: i32) -> (i32, i32) {
    %c0_i32 = arith.constant 0 : i32
    %c0_i32_0 = arith.constant 0 : i32
    return %arg0, %c0_i32 : i32, i32
  }
  func.func @transform_2(%arg0: i32) -> (i32, i32, i32) {
    %c0_i32 = arith.constant 0 : i32
    %c0_i32_0 = arith.constant 0 : i32
    %c0_i32_1 = arith.constant 0 : i32
    return %arg0, %c0_i32, %c0_i32_0 : i32, i32, i32
  }
  func.func @transform_3(%arg0: i32) -> (i32, i32, i32) {
    %c0_i32 = arith.constant 0 : i32
    %c0_i32_0 = arith.constant 0 : i32
    %c0_i32_1 = arith.constant 0 : i32
    return %arg0, %c0_i32, %c0_i32_0 : i32, i32, i32
  }
  func.func @transform_4(%arg0: i32) -> (i32, i32, i32) {
    %c0_i32 = arith.constant 0 : i32
    %c0_i32_0 = arith.constant 0 : i32
    %c0_i32_1 = arith.constant 0 : i32
    return %arg0, %c0_i32, %c0_i32_0 : i32, i32, i32
  }
  func.func @transform_5(%arg0: i32) -> (i32, i32) {
    %c0_i32 = arith.constant 0 : i32
    %c0_i32_0 = arith.constant 0 : i32
    %c0_i32_1 = arith.constant 0 : i32
    return %c0_i32, %c0_i32_0 : i32, i32
  }
  func.func @transform_6(%arg0: i32) -> (i32, i32) {
    %c0_i32 = arith.constant 0 : i32
    %c0_i32_0 = arith.constant 0 : i32
    return %arg0, %c0_i32 : i32, i32
  }
}

</mosaic_0001>

<sc_bundles>
// kernel: kernel.10.cloned.1.call-start
scs
__scs_entry_jumppad:
0x0: {  	(pc) =	sbr.rel $0x88, $3  }
0x1: {  	(tag) =	ssettag $0x0;
	lr =	simm.s32 $0x1  }
0x2: {  	[smem:$0x3F97] =	sst lr;
	_ =	strace $0xD0000000  }
0x3: {  	_ = 	snop  }
0x4: {  	_ = 	snop  }
0x5: {  	_ = 	snop  }
0x6: {  	_ = 	snop  }
0x7: {  	_ = 	snop  }
__scs_overlays_trampoline_lowered:
0x8: {  	[smem:$0x3FA6] =	sst s0  }
0x9: {  	[smem:$0x3FA7] =	sst s1  }
0xa: {  	[smem:$0x3FA8] =	sst s2  }
0xb: {  	[smem:$0x3FA9] =	sst s3  }
0xc: {  	[smem:$0x3FAA] =	sst s4  }
0xd: {  	[smem:$0x3FAB] =	sst s5  }
0xe: {  	[smem:$0x3FAC] =	sst s6  }
0xf: {  	[smem:$0x3FAD] =	sst s7  }
0x10: {  	[smem:$0x3FAE] =	sst s8  }
0x11: {  	[smem:$0x3FAF] =	sst s9;
	s0 =	simm.s32 @!p0 $0x0  }
0x12: {  	s1 =	sld [smem:$0x3F95];
	s0 =	simm.s32 @p0 $0x1  }
0x13: {  	[smem:$0x3FB0] =	sst s0;
	s0 =	simm.s32 @!p1 $0x0  }
0x14: {  	s2 =	sld [smem:$0x3F94];
	s0 =	simm.s32 @p1 $0x1  }
0x15: {  	[smem:$0x3FB1] =	sst s0;
	s0 =	simm.s32 @!p2 $0x0  }
0x16: {  	s3 =	sld [smem:$0x3FDB];
	s0 =	simm.s32 @p2 $0x1  }
0x17: {  	s4 =	simm.s32 $0x1BF5;
	[smem:$0x3FB3] =	sst s0  }
0x18: {  	s0 =	sld [smem:$0x3F96];
	_ =	swait.ge [sflag:s4], $0x0  }
0x19: {  	s7 =	sld [smem:$0x3F97]  }
0x1a: {  	s8 =	sadd.s32 $0xFFFFE003, lr  }
0x1b: {  	s9 =	sadd.s32 $0xFFFFFEF7, lr;
	s5 =	simm.s32 $0xFFFFFFFF;
	p2 =	slt.u32 s8, $0xFFFFF086  }
0x1c: {  	p1 =	slt.u32 s9, $0xF7A;
	s5 =	simm.s32 @!p2 $0x0  }
0x1d: {  	s5 =	simm.s32 @p1 $0x1;
	p0 =	seq.s32 s7, s2  }
0x1e: {  	s7 =	smul.u32 @!p0 $0xF7A, s2;
	p2 =	seq.s32 @!p0 s5, $0x0  }
0x1f: {  	s9 =	smul.u32 $0xF7A, s1;
	s8 =	simm.s32 @!p0 $0x1BF5;
	p2 =	por !p2, p0  }
0x20: {  	[sflag:s8] =	ssyncset.s32 @!p0 $0xFFFFF086;
	s6 =	sadd.s32 @!p0 s3, s7;
	s7 =	simm.s32 @!p0 $0x108  }
0x21: {  	s3 =	sadd.s32 s3, s9;
	s6 =	sadd.s32 @!p0 $0x88, s6;
	s7 =	simm.s32 @p2 $0x1082  }
0x22: {  	[simem:s7], [sflag:s8] =	dma.local @!p0 [hbm:s6], $0xF7A  }
0x23: {  	s9 =	sor.u32 $0xD0000000, s2;
	s6 =	simm.s32 $0x108;
	_ =	swait.ge @!p0 [sflag:s8], $0x0  }
0x24: {  	s3 =	sadd.s32 $0x88, s3;
	s6 =	simm.s32 @!p1 $0x1082;
	[sflag:s4] =	ssyncset.s32 $0xFFFFF086  }
0x25: {  	[simem:s6], [sflag:s4] =	dma.local [hbm:s3], $0xF7A  }
0x26: {  	[smem:$0x3F97] =	sst s1;
	(tag) =	ssettag s2;
	_ =	strace s9  }
0x27: {  	s1 =	sld [smem:$0x3FA7]  }
0x28: {  	s2 =	sld [smem:$0x3FA8]  }
0x29: {  	s4 =	sld [smem:$0x3FAA]  }
0x2a: {  	p0 =	seq.s32 s5, $0x0;
	s5 =	sld [smem:$0x3FAB]  }
0x2b: {  	s6 =	sld [smem:$0x3FAC]  }
0x2c: {  	s7 =	sld [smem:$0x3FAD]  }
0x2d: {  	s3 =	simm.s32 $0x108;
	s8 =	sld [smem:$0x3FAE]  }
0x2e: {  	s3 =	simm.s32 @!p0 $0x1082;
	s9 =	sld [smem:$0x3FAF]  }
0x2f: {  	lr =	sadd.s32 s0, s3;
	s0 =	sld [smem:$0x3FA6]  }
0x30: {  	s3 =	sld [smem:$0x3FA9]  }
0x31: {  	[smem:$0x3FB2] =	sst s10  }
0x32: {  	s10 =	sld [smem:$0x3FB0];
	_ =	sdelay $0x3  }
0x33: {  	p0 =	seq.s32 s10, $0x1;
	s10 =	sld [smem:$0x3FB2];
	_ =	sdelay $0x3  }
0x34: {  	[smem:$0x3FB2] =	sst s10  }
0x35: {  	s10 =	sld [smem:$0x3FB1];
	_ =	sdelay $0x3  }
0x36: {  	p1 =	seq.s32 s10, $0x1;
	s10 =	sld [smem:$0x3FB2];
	_ =	sdelay $0x3  }
0x37: {  	[smem:$0x3FB2] =	sst s10  }
0x38: {  	s10 =	sld [smem:$0x3FB3]  }
0x39: {  	_ = 	snop;
	(pc) =	sbr.ind lr, $3  }
0x3a: {  	_ = 	snop  }
0x3b: {  	_ = 	snop  }
0x3c: {  	p2 =	seq.s32 s10, $0x1;
	s10 =	sld [smem:$0x3FB2]  }
0x3d: {  	_ =	shalt  }
0x3e: {  	_ =	shalt  }
0x3f: {  	_ =	shalt  }
0x40: {  	_ =	shalt  }
0x41: {  	_ =	shalt  }
0x42: {  	_ =	shalt  }
0x43: {  	_ =	shalt  }
0x44: {  	_ =	shalt  }
0x45: {  	_ =	shalt  }
0x46: {  	_ =	shalt  }
0x47: {  	_ =	shalt  }
0x48: {  	_ =	shalt  }
0x49: {  	_ =	shalt  }
0x4a: {  	_ =	shalt  }
0x4b: {  	_ =	shalt  }
0x4c: {  	_ =	shalt  }
0x4d: {  	_ =	shalt  }
0x4e: {  	_ =	shalt  }
0x4f: {  	_ =	shalt  }
0x50: {  	_ =	shalt  }
0x51: {  	_ =	shalt  }
0x52: {  	_ =	shalt  }
0x53: {  	_ =	shalt  }
0x54: {  	_ =	shalt  }
0x55: {  	_ =	shalt  }
0x56: {  	_ =	shalt  }
0x57: {  	_ =	shalt  }
0x58: {  	_ =	shalt  }
0x59: {  	_ =	shalt  }
0x5a: {  	_ =	shalt  }
0x5b: {  	_ =	shalt  }
0x5c: {  	_ =	shalt  }
0x5d: {  	_ =	shalt  }
0x5e: {  	_ =	shalt  }
0x5f: {  	_ =	shalt  }
0x60: {  	_ =	shalt  }
0x61: {  	_ =	shalt  }
0x62: {  	_ =	shalt  }
0x63: {  	_ =	shalt  }
0x64: {  	_ =	shalt  }
0x65: {  	_ =	shalt  }
0x66: {  	_ =	shalt  }
0x67: {  	_ =	shalt  }
0x68: {  	_ =	shalt  }
0x69: {  	_ =	shalt  }
0x6a: {  	_ =	shalt  }
0x6b: {  	_ =	shalt  }
0x6c: {  	_ =	shalt  }
0x6d: {  	_ =	shalt  }
0x6e: {  	_ =	shalt  }
0x6f: {  	_ =	shalt  }
0x70: {  	_ =	shalt  }
0x71: {  	_ =	shalt  }
0x72: {  	_ =	shalt  }
0x73: {  	_ =	shalt  }
0x74: {  	_ =	shalt  }
0x75: {  	_ =	shalt  }
0x76: {  	_ =	shalt  }
0x77: {  	_ =	shalt  }
0x78: {  	_ =	shalt  }
0x79: {  	_ =	shalt  }
0x7a: {  	_ =	shalt  }
0x7b: {  	_ =	shalt  }
0x7c: {  	_ =	shalt  }
0x7d: {  	_ =	shalt  }
0x7e: {  	_ =	shalt  }
0x7f: {  	_ =	shalt  }
0x80: {  	_ =	shalt  }
0x81: {  	_ =	shalt  }
0x82: {  	_ =	shalt  }
0x83: {  	_ =	shalt  }
0x84: {  	_ =	shalt  }
0x85: {  	_ =	shalt  }
0x86: {  	_ =	shalt  }
0x87: {  	_ =	shalt  }
.Lfunc_end0:
.L_simem_size_0:
called_computation.1_lowered:
.L_overlay_start_0:
0x88: {  	s2 =	sld [smem:$0x3FD9]  }
0x89: {  	s3 =	sld [smem:$0x3FFE];
	_ =	sdelay $0x1  }
0x8a: {  	s1 =	srdreg.scid  }
0x8b: {  	s0 =	sand.u32 $0x1, s1  }
0x8c: {  	s17 =	sshll.u32 s0, $0xA;
	s2 =	sadd.s32 s3, s2  }
0x8d: {  	s2 =	sadd.s32 s2, s17  }
0x8e: {  	[smem:$0x3FBE] =	sst s2  }
0x8f: {  	_ = 	snop  }
0x90: {  	s2 =	sld [smem:$0x3FC8]  }
0x91: {  	s18 =	sld [smem:$0x3FC7];
	(tm) =	ssettm $0x1  }
0x92: {  	s4 =	sld [smem:$0x3FFB];
	_ =	sdelay $0x3  }
0x93: {  	_ =	strace s4  }
0x94: {  	s4 =	sld [smem:$0x3FFC];
	_ =	sdelay $0x3  }
0x95: {  	_ =	strace s4  }
0x96: {  	s4 =	sld [smem:$0x3FFD];
	_ =	sdelay $0x3  }
0x97: {  	_ =	strace s4  }
0x98: {  	_ =	strace $0x8FFFFFFF  }
0x99: {  	s19 =	sld [smem:$0x3FDB];
	_ =	sdelay $0x1  }
0x9a: {  	s5 =	simm.s32 $_scs_section_size  }
0x9b: {  	s6 =	simm.s32 $_size__tile_overlayer_lowered;
	s7 =	simm.s32 $_tile_overlayer_lowered  }
0x9c: {  	s22 =	simm.s32 $0x1BFF;
	s21 =	sshll.u32 s7, $0x1;
	s4 =	sadd.s32 s5, s19  }
0x9d: {  	s8 =	simm.s32 $0x0;
	s20 =	sshll.u32 s6, $0x1;
	s6 =	sadd.s32 s21, s4  }
0x9e: {  	[timem:s8], [sflag:s22] =	dma.local [hbm:s6], s20  }
0x9f: {  	_ =	swait.ge [sflag:s22], s20  }
0xa0: {  	s5 =	ssub.s32 $0x0, s20;
	[sflag:s22] =	ssyncset.done $0x0  }
0xa1: {  	[sflag:s22] =	ssyncadd.s32 s5;
	_ =	sdelay $0x1  }
0xa2: {  	s23 =	simm.s32 $0x1B8B  }
0xa3: {  	_ =	swait.ge [sflag:s23], $0x1  }
0xa4: {  	[sflag:s23] =	ssyncset.done $0x0  }
0xa5: {  	s25 =	simm.s32 $0x1B8E;
	s24 =	sld [smem:$0x3FFE];
	[sflag:s23] =	ssyncadd.s32 $0xFFFFFFFF  }
0xa6: {  	s26 =	simm.s32 $execute0_lowered;
	[smem:$0x3FD2] =	sst s25  }
0xa7: {  	s6 =	sshll.u32 s26, $0x1;
	_ =	strace $0x80000046;
	[dreg:$0x1] =	wrdreg $0xFFFFFFFF  }
0xa8: {  	s28 =	simm.s32 $_size_execute0_lowered;
	s4 =	sadd.s32 s4, s6;
	[dreg:$0x0] =	wrdreg $0x0  }
0xa9: {  	s6 =	sshll.u32 s28, $0x1;
	[dreg:$0x2] =	wrdreg s4  }
0xaa: {  	[dreg:$0x3] =	wrdreg s6  }
0xab: {  	[dreg:$0x4] =	wrdreg $0xC0  }
0xac: {  	_ =	task [dreg:s8], $0x5FFFF  }
0xad: {  	[dreg:$0x1] =	wrdreg $0xFFFFFFFF  }
0xae: {  	[dreg:$0x0] =	wrdreg $0x60  }
0xaf: {  	[dreg:$0x2] =	wrdreg s18  }
0xb0: {  	[dreg:$0x3] =	wrdreg s2  }
0xb1: {  	[dreg:$0x4] =	wrdreg s24  }
0xb2: {  	[dreg:$0x5] =	wrdreg $0xA  }
0xb3: {  	_ =	task.clear_ibuf [dreg:s8], $0x6FFFF;
	_ =	strace $0x90000046  }
0xb4: {  	s29 =	simm.s32 $0xA;
	_ =	strace $0x80000048  }
0xb5: {  	_ =	swait.ge [sflag:s29], $0x1  }
0xb6: {  	[sflag:s29] =	ssyncadd.s32 $0xFFFFFFFF  }
0xb7: {  	_ =	strace $0x90000048  }
0xb8: {  	_ =	sfence  }
0xb9: {  	s30 =	sld [smem:$0x0];
	_ =	sdelay $0x2  }
0xba: {  	s31 =	sshll.u32 s1, $0xD;
	s1 =	sshrl.u32 s1, $0x2  }
0xbb: {  	s3 =	sand.u32 $0x4000, s31;
	s1 =	sadd.s32 s1, s30  }
0xbc: {  	s0 =	sor.u32 s3, s0;
	s1 =	sshll.u32 s1, $0x11  }
0xbd: {  	s0 =	sor.u32 s1, s0  }
0xbe: {  	s0 =	sadd.s32 $0x8F2B, s0  }
0xbf: {  	[sflag:s0] =	ssyncadd.remote.s32 $0x1  }
0xc0: {  	_ =	sfence.sel $0xFFFF  }
0xc1: {  	[dreg:$0x0] =	wrdreg $0xFFFFFFFF;
	(pc) =	sbr.abs _section_cstart, $3  }
0xc2: {  	[dreg:$0x1] =	wrdreg $0xFFFFFFFF  }
0xc3: {  	_ =	task.clear_ibuf [dreg:s8], $0x2FFFF;
	_ =	strace $0x9FFFFFFF  }
0xc4: {  	(tm) =	ssettm $0x7FFFFFFF  }
0xc5: {  	_ =	shalt  }
tec
execute0_lowered:
.L_overlay_start_1:
0x0: {  	(tag) =	ssettag $0x1  }
0x1: {  	s4 =	rddreg [dreg:$0x0]  }
0x2: {  	s5 =	rddreg [dreg:$0x1]  }
0x3: {  	s2 =	rddreg [dreg:$0x2]  }
0x4: {  	s0 =	rddreg [dreg:$0x3];
	s1 =	simm.s32 $0x0  }
0x5: {  	s3 =	srdreg.scid;
	s11 =	simm.s32 $0x400;
	s12 =	simm.s32 $0x4400  }
0x6: {  	s13 =	simm.s32 $0x100;
	s14 =	simm.s32 $0x8400;
	s15 =	simm.s32 $0x180  }
0x7: {  	s16 =	simm.s32 $0xC400;
	s17 =	simm.s32 $0x1;
	[smem:$0x7FF] =	sst s1  }
0x8: {  	s6 =	sand.u32 $0x1, s3;
	s3 =	sadd.s32 $0x1E00, s2;
	_ =	strace $0x80000047  }
0x9: {  	s7 =	sshll.u32 s6, $0xD;
	s8 =	ssub.s32 $0x2, s6;
	s6 =	sshll.u32 s6, $0x6  }
0xa: {  	s7 =	sadd.s32 s7, s2;
	s2 =	stileid.u32;
	s9 =	sshrl.u32 s8, $0x1  }
0xb: {  	s10 =	sshll.u32 s2, $0x7;
	s8 =	ssub.s32 s8, s9;
	s30 =	sshll.u32 s2, $0xE  }
0xc: {  	s9 =	simm.s32 $0x200;
	s6 =	sor.u32 s6, s10;
	s31 =	sadd.s32 s30, s7  }
0xd: {  	s7 =	smax.u32 s8, $0x1;
	s8 =	simm.s32 $0x2;
	s10 =	simm.s32 $0x80  }
0xe: {  	s4 =	sadd.s32 s4, s6;
	s5 =	sadd.s32 s5, s6;
	s6 =	sadd.s32 $0x7A9E00, s31  }
.LBB2_1:
0xf: {  	[tilespmem:s1], [sflag:$0x2] =	stream.linear.gather [hbm4b:s4+s1], $0x200, $0x38;
	[tilespmem:$0x10400] =	vst v63  }
0x10: {  	_ =	swait.ge [sflag:s8], $0x200  }
0x11: {  	[sflag:s8] =	ssyncset.done $0x0  }
0x12: {  	[sflag:s8] =	ssyncadd.s32 $0xFFFFFE00  }
0x13: {  	[tilespmem:s9], [sflag:$0x2] =	stream.linear.gather [hbm4b:s5+s1], $0x200, $0x38;
	[tilespmem:$0x10400] =	vst v63  }
0x14: {  	_ =	swait.ge [sflag:s8], $0x200  }
0x15: {  	[sflag:s8] =	ssyncset.done $0x0  }
0x16: {  	[sflag:s8] =	ssyncadd.s32 $0xFFFFFE00  }
0x17: {  	v0 =	vld [tilespmem:$0x0]  }
0x18: {  	v1 =	vld [tilespmem:$0x200]  }
0x19: {  	v2 =	vld [tilespmem:$0x10]  }
0x1a: {  	v3 =	vld [tilespmem:$0x210]  }
0x1b: {  	v4 =	vld [tilespmem:$0x20]  }
0x1c: {  	v5 =	vld [tilespmem:$0x220]  }
0x1d: {  	v6 =	vld [tilespmem:$0x30]  }
0x1e: {  	v7 =	vld [tilespmem:$0x230]  }
0x1f: {  	v8 =	vld [tilespmem:$0x40]  }
0x20: {  	v9 =	vld [tilespmem:$0x240]  }
0x21: {  	v10 =	vld [tilespmem:$0x50]  }
0x22: {  	v11 =	vld [tilespmem:$0x250]  }
0x23: {  	v12 =	vld [tilespmem:$0x60]  }
0x24: {  	v13 =	vld [tilespmem:$0x260]  }
0x25: {  	v14 =	vld [tilespmem:$0x70]  }
0x26: {  	v15 =	vld [tilespmem:$0x270]  }
0x27: {  	v17 =	vld [tilespmem:$0x80]  }
0x28: {  	v19 =	vld [tilespmem:$0x280]  }
0x29: {  	v29 =	vld [tilespmem:$0x90];
	vm0 =	vgt.s32 v0, $0xC3FF  }
0x2a: {  	v32 =	vld [tilespmem:$0xA0];
	v16 =	vadd.s32 $0xFFFF3C00, v0;
	v1 =	vmul.u32 $0xC400, v1;
	vm1 =	vgt.s32 v2, $0xC3FF  }
0x2b: {  	v20 =	vld [tilespmem:$0x2A0];
	v18 =	vadd.s32 $0xFFFF3C00, v2;
	v3 =	vmul.u32 $0xC400, v3;
	vm10 =	vgt.s32 v4, $0xC3FF  }
0x2c: {  	v35 =	vld [tilespmem:$0xB0];
	v31 =	vadd.s32 $0xFFFF3C00, v4;
	v5 =	vmul.u32 $0xC400, v5;
	vm11 =	vgt.s32 v6, $0xC3FF  }
0x2d: {  	v21 =	vld [tilespmem:$0x2B0];
	v33 =	vadd.s32 $0xFFFF3C00, v6;
	v34 =	vmul.u32 $0xC400, v7;
	vm12 =	vgt.s32 v8, $0xC3FF  }
0x2e: {  	v22 =	vld [tilespmem:$0xC0];
	v36 =	vadd.s32 $0xFFFF3C00, v8;
	v9 =	vmul.u32 $0xC400, v9;
	vm13 =	vgt.s32 v10, $0xC3FF  }
0x2f: {  	v39 =	vld [tilespmem:$0x2C0];
	v37 =	vadd.s32 $0xFFFF3C00, v10;
	v40 =	vmul.u32 $0xC400, v11;
	vm14 =	vgt.s32 v12, $0xC3FF  }
0x30: {  	v42 =	vld [tilespmem:$0xD0];
	v41 =	vadd.s32 $0xFFFF3C00, v12;
	vm15 =	vgt.s32 v14, $0xC3FF;
	v43 =	vadd.s32 $0xFFFF3C00, v14  }
0x31: {  	v23 =	vld [tilespmem:$0x2D0];
	v44 =	vmul.u32 $0xC400, v13;
	v46 =	vmul.u32 $0xC400, v15;
	vm4 =	vgt.s32 v17, $0xC3FF  }
0x32: {  	v45 =	vld [tilespmem:$0xE0];
	v47 =	vadd.s32 $0xFFFF3C00, v17;
	vm5 =	vgt.s32 v29, $0xC3FF;
	v48 =	vadd.s32 $0xFFFF3C00, v29  }
0x33: {  	v25 =	vld [tilespmem:$0xF0];
	v19 =	vmul.u32 $0xC400, v19;
	vm6 =	vgt.s32 v32, $0xC3FF;
	v26 =	vadd.s32 $0xFFFF3C00, v32  }
0x34: {  	v49 =	vld [tilespmem:$0x2F0];
	v20 =	vmul.u32 $0xC400, v20;
	vm7 =	vgt.s32 v35, $0xC3FF;
	v54 =	vadd.s32 $0xFFFF3C00, v35  }
0x35: {  	v27 =	vld [tilespmem:$0x100];
	v55 =	vmul.u32 $0xC400, v21;
	vm8 =	vgt.s32 v22, $0xC3FF;
	v57 =	vadd.s32 $0xFFFF3C00, v22  }
0x36: {  	v53 =	vld [tilespmem:$0x110];
	vm9 =	vgt.s32 v42, $0xC3FF;
	v60 =	vadd.s32 $0xFFFF3C00, v42;
	v23 =	vmul.u32 $0xC400, v23  }
0x37: {  	v58 =	vld [tilespmem:$0x120];
	v62 =	vadd.s32 $0xFFFF3C00, v45;
	v0 =	vsel vm0, v16, v0;
	v2 =	vsel vm1, v18, v2  }
0x38: {  	v61 =	vld [tilespmem:$0x130];
	v7 =	vsel vm12, v36, v8;
	v38 =	vsel vm13, v37, v10;
	v10 =	vsel vm14, v41, v12  }
0x39: {  	v28 =	vld [tilespmem:$0x330];
	v12 =	vsel vm15, v43, v14;
	v15 =	vsel vm4, v47, v17;
	v16 =	vsel vm5, v48, v29  }
0x3a: {  	v30 =	vld [tilespmem:$0x290];
	v51 =	vsel vm6, v26, v32;
	v18 =	vsel vm8, v57, v22;
	v8 =	vmul.u32 $0xC400, v39  }
0x3b: {  	v11 =	vsel vm9, v60, v42;
	v32 =	vadd.s32 $0xFFFF3C00, v25;
	vm12 =	vgt.s32 v27, $0xC3FF  }
0x3c: {  	v24 =	vld [tilespmem:$0x2E0];
	v37 =	vmul.u32 $0xC400, v49;
	vm13 =	vgt.s32 v53, $0xC3FF;
	v41 =	vadd.s32 $0xFFFF3C00, v53  }
0x3d: {  	v56 =	vld [tilespmem:$0x310];
	vm14 =	vgt.s32 v58, $0xC3FF;
	vm15 =	vgt.s32 v61, $0xC3FF;
	v48 =	vadd.s32 $0xFFFF3C00, v61  }
0x3e: {  	v59 =	vld [tilespmem:$0x320];
	v49 =	vmul.u32 $0xC400, v28;
	v0 =	vadd.s32 v0, v1;
	v1 =	vadd.s32 v2, v3  }
0x3f: {  	v52 =	vld [tilespmem:$0x300];
	v3 =	vsel vm10, v31, v4;
	v4 =	vsel vm11, v33, v6;
	v2 =	vmul.u32 $0xC400, v30  }
0x40: {  	v36 =	vld [tilespmem:$0x150];
	v50 =	vadd.s32 v12, v46;
	v15 =	vadd.s32 v15, v19;
	v12 =	vadd.s32 v51, v20  }
0x41: {  	v39 =	vld [tilespmem:$0x350];
	v6 =	vsel vm7, v54, v35;
	vm10 =	vgt.s32 v45, $0xC3FF;
	v31 =	vmul.u32 $0xC400, v24;
	[tilespmem:$0x0] =	vst v0  }
0x42: {  	v42 =	vld [tilespmem:$0x160];
	vm11 =	vgt.s32 v25, $0xC3FF;
	v35 =	vadd.s32 $0xFFFF3C00, v27;
	v43 =	vsel vm13, v41, v53;
	[tilespmem:$0x10] =	vst v1  }
0x43: {  	v47 =	vld [tilespmem:$0x170];
	v46 =	vmul.u32 $0xC400, v56;
	v19 =	vmul.u32 $0xC400, v59;
	v51 =	vsel vm15, v48, v61;
	[tilespmem:$0x70] =	vst v50  }
0x44: {  	v22 =	vld [tilespmem:$0x1A0];
	v3 =	vadd.s32 v3, v5;
	v4 =	vadd.s32 v4, v34;
	v5 =	vadd.s32 v7, v9;
	[tilespmem:$0x80] =	vst v15  }
0x45: {  	v26 =	vld [tilespmem:$0x3A0];
	v7 =	vadd.s32 v38, v40;
	v9 =	vadd.s32 v10, v44;
	v6 =	vadd.s32 v6, v55;
	[tilespmem:$0xA0] =	vst v12  }
0x46: {  	v30 =	vld [tilespmem:$0x140];
	v63 =	vadd.s32 v18, v8;
	v8 =	vadd.s32 v11, v23;
	v29 =	vsel vm10, v62, v45;
	[tilespmem:$0x20] =	vst v3  }
0x47: {  	v33 =	vld [tilespmem:$0x340];
	v34 =	vsel vm11, v32, v25;
	v38 =	vsel vm12, v35, v27;
	v40 =	vmul.u32 $0xC400, v52;
	[tilespmem:$0x30] =	vst v4  }
0x48: {  	v61 =	vld [tilespmem:$0x390];
	v44 =	vadd.s32 $0xFFFF3C00, v58;
	v2 =	vadd.s32 v16, v2;
	v1 =	vadd.s32 v29, v31;
	[tilespmem:$0x40] =	vst v5  }
0x49: {  	v41 =	vld [tilespmem:$0x1D0];
	[tilespmem:$0x50] =	vst v7;
	v14 =	vsel vm14, v44, v58;
	v3 =	vadd.s32 v34, v37;
	v53 =	vadd.s32 v43, v46  }
0x4a: {  	v45 =	vld [tilespmem:$0x360];
	[tilespmem:$0x60] =	vst v9;
	v4 =	vadd.s32 v51, v49;
	v5 =	vadd.s32 v38, v40;
	v54 =	vadd.s32 v14, v19  }
0x4b: {  	v50 =	vld [tilespmem:$0x370];
	[tilespmem:$0xB0] =	vst v6;
	vm5 =	vgt.s32 v36, $0xC3FF;
	v60 =	vadd.s32 $0xFFFF3C00, v36;
	v21 =	vmul.u32 $0xC400, v39  }
0x4c: {  	v52 =	vld [tilespmem:$0x180];
	[tilespmem:$0xC0] =	vst v63;
	vm6 =	vgt.s32 v42, $0xC3FF;
	v23 =	vadd.s32 $0xFFFF3C00, v42;
	vm7 =	vgt.s32 v47, $0xC3FF  }
0x4d: {  	v55 =	vld [tilespmem:$0x380];
	[tilespmem:$0xD0] =	vst v8;
	v28 =	vadd.s32 $0xFFFF3C00, v47;
	vm10 =	vgt.s32 v22, $0xC3FF;
	v43 =	vadd.s32 $0xFFFF3C00, v22  }
0x4e: {  	v32 =	vld [tilespmem:$0x3B0];
	[tilespmem:$0x90] =	vst v2;
	v48 =	vmul.u32 $0xC400, v26;
	vm4 =	vgt.s32 v30, $0xC3FF;
	v56 =	vadd.s32 $0xFFFF3C00, v30  }
0x4f: {  	v35 =	vld [tilespmem:$0x1C0];
	[tilespmem:$0xE0] =	vst v1;
	v57 =	vmul.u32 $0xC400, v33;
	v63 =	vsel vm5, v60, v36;
	v27 =	vsel vm6, v23, v42  }
0x50: {  	v58 =	vld [tilespmem:$0x190];
	[tilespmem:$0xF0] =	vst v3;
	v31 =	vsel vm7, v28, v47;
	v42 =	vmul.u32 $0xC400, v61;
	vm13 =	vgt.s32 v41, $0xC3FF  }
0x51: {  	v29 =	vld [tilespmem:$0x1B0];
	[tilespmem:$0x120] =	vst v54;
	v54 =	vadd.s32 $0xFFFF3C00, v41;
	v59 =	vsel vm4, v56, v30;
	v25 =	vmul.u32 $0xC400, v45  }
0x52: {  	v44 =	vld [tilespmem:$0x3D0];
	[tilespmem:$0x110] =	vst v53;
	v30 =	vadd.s32 v63, v21;
	v33 =	vmul.u32 $0xC400, v50;
	vm8 =	vgt.s32 v52, $0xC3FF  }
0x53: {  	v49 =	vld [tilespmem:$0x3E0];
	[tilespmem:$0x130] =	vst v4;
	v34 =	vadd.s32 $0xFFFF3C00, v52;
	v39 =	vmul.u32 $0xC400, v55;
	v45 =	vsel vm10, v43, v22  }
0x54: {  	v51 =	vld [tilespmem:$0x1F0];
	[tilespmem:$0x100] =	vst v5;
	v8 =	vmul.u32 $0xC400, v32;
	vm12 =	vgt.s32 v35, $0xC3FF;
	v50 =	vadd.s32 $0xFFFF3C00, v35  }
0x55: {  	v56 =	vsel vm13, v54, v41;
	v62 =	vadd.s32 v59, v57;
	v36 =	vsel vm8, v34, v52;
	[tilespmem:$0x150] =	vst v30  }
0x56: {  	v38 =	vld [tilespmem:$0x3C0];
	vm9 =	vgt.s32 v58, $0xC3FF;
	v37 =	vadd.s32 $0xFFFF3C00, v58;
	v0 =	vadd.s32 v45, v48;
	[tilespmem:$0x140] =	vst v62  }
0x57: {  	v47 =	vld [tilespmem:$0x1E0];
	vm11 =	vgt.s32 v29, $0xC3FF;
	v46 =	vadd.s32 $0xFFFF3C00, v29;
	v1 =	vadd.s32 v27, v25;
	[tilespmem:$0x1A0] =	vst v0  }
0x58: {  	v52 =	vld [tilespmem:$0x3F0];
	v55 =	vmul.u32 $0xC400, v44;
	v59 =	vmul.u32 $0xC400, v49;
	v5 =	vadd.s32 v31, v33;
	[tilespmem:$0x160] =	vst v1  }
0x59: {  	vm15 =	vgt.s32 v51, $0xC3FF;
	v40 =	vsel vm9, v37, v58;
	v2 =	vadd.s32 v36, v39;
	[tilespmem:$0x170] =	vst v5  }
0x5a: {  	v60 =	vadd.s32 $0xFFFF3C00, v51;
	v10 =	vsel vm11, v46, v29;
	v4 =	vadd.s32 v40, v42;
	[tilespmem:$0x180] =	vst v2  }
0x5b: {  	v11 =	vmul.u32 $0xC400, v38;
	v1 =	vsel vm12, v50, v35;
	v53 =	vadd.s32 v10, v8;
	[tilespmem:$0x190] =	vst v4  }
0x5c: {  	v0 =	vadd.s32 v56, v55;
	vm14 =	vgt.s32 v47, $0xC3FF;
	v57 =	vadd.s32 $0xFFFF3C00, v47;
	[tilespmem:$0x1B0] =	vst v53  }
0x5d: {  	v1 =	vadd.s32 v1, v11;
	[tilespmem:$0x1D0] =	vst v0;
	v58 =	vsel vm14, v57, v47;
	v61 =	vmul.u32 $0xC400, v52  }
0x5e: {  	[tilespmem:$0x1C0] =	vst v1;
	v1 =	vsel vm15, v60, v51;
	v62 =	vadd.s32 v58, v59  }
0x5f: {  	[tilespmem:$0x1E0] =	vst v62;
	v63 =	vadd.s32 v1, v61  }
0x60: {  	[tilespmem:$0x1F0] =	vst v63  }
0x61: {  	[tilespmem:s11], [sflag:$0x1] =	stream.indirect.gather [hbm4b:s3+s10], $0x80, s1, s10, $0xb8;
	[tilespmem:$0x10400] =	vst v63  }
0x62: {  	_ = 	snop  }
0x63: {  	[tilespmem:s12], [sflag:$0x1] =	stream.indirect.gather [hbm4b:s3+s10], $0x80, s10, s10, $0xb8;
	[tilespmem:$0x10400] =	vst v63  }
0x64: {  	_ = 	snop  }
0x65: {  	[tilespmem:s14], [sflag:$0x1] =	stream.indirect.gather [hbm4b:s3+s10], $0x80, s13, s10, $0xb8;
	[tilespmem:$0x10400] =	vst v63  }
0x66: {  	_ = 	snop  }
0x67: {  	[tilespmem:s16], [sflag:$0x1] =	stream.indirect.gather [hbm4b:s3+s10], $0x80, s15, s10, $0xb8;
	[tilespmem:$0x10400] =	vst v63  }
0x68: {  	_ =	swait.ge [sflag:s17], $0x4000  }
0x69: {  	[sflag:s17] =	ssyncset.done $0x0  }
0x6a: {  	[sflag:s17] =	ssyncadd.s32 $0xFFFFC000  }
0x6b: {  	_ =	swait.ge [sflag:s17], $0x4000  }
0x6c: {  	[sflag:s17] =	ssyncset.done $0x0  }
0x6d: {  	[sflag:s17] =	ssyncadd.s32 $0xFFFFC000  }
0x6e: {  	_ =	swait.ge [sflag:s17], $0x4000  }
0x6f: {  	[sflag:s17] =	ssyncset.done $0x0  }
0x70: {  	[sflag:s17] =	ssyncadd.s32 $0xFFFFC000  }
0x71: {  	_ =	swait.ge [sflag:s17], $0x4000  }
0x72: {  	p0 =	sne.s32 s7, $0x1;
	[sflag:s17] =	ssyncset.done $0x0  }
.Ltmp0:
0x73: {  	[sflag:s17] =	ssyncadd.s32 $0xFFFFC000;
	(pc) =	sbr.rel @p0 .LBB2_1-.Ltmp0, $4  }
0x74: {  	[hbm4b:s6+s1] =	stream.linear.scatter [tilespmem:s11], [sflag:$0x2], $0x10000, $0x38;
	[tilespmem:$0x10400] =	vst v63  }
0x75: {  	_ =	swait.ge [sflag:s8], $0x10000  }
0x76: {  	[sflag:s8] =	ssyncset.done $0x0  }
0x77: {  	s7 =	sadd.s32 $0xFFFFFFFF, s7;
	[sflag:s8] =	ssyncadd.s32 $0xFFFF0000  }
0x78: {  	_ =	sfence.sel $0x180000  }
0x79: {  	[bflag:$0x0] =	sbarrier.arrive $0xFFFF  }
0x7a: {  	p0 =	sne.s32 s2, $0x0;
	_ =	strace $0x90000047  }
0x7b: {  	s0 =	sadd.s32 @!p0 $0x100000, s0;
	[bflag:$0x2] =	sbarrier.arrive $0xFFFF  }
0x7c: {  	[sflag:s0] =	ssyncadd.tile.s32 @!p0 $0x1;
	_ =	shalt  }
.Lfunc_end2:
_tile_overlayer_lowered:
.L_overlay_start_2:
0x7d: {  	(tag) =	ssettag $0x2  }
0x7e: {  	s0 =	rddreg [dreg:$0x0];
	s2 =	stileid.u32  }
0x7f: {  	s1 =	rddreg [dreg:$0x1];
	p0 =	sne.s32 s2, $0x0  }
0x80: {  	s3 =	rddreg [dreg:$0x2];
	[bflag:$0x3] =	sbarrier.arrive $0xFFFF;
	s2 =	simm.s32 @!p0 $0x1C02  }
0x81: {  	[timem:s3], [sflag:s2] =	dma.local @!p0 [hbm:s0], s1  }
0x82: {  	s0 =	simm.s32 @!p0 $0x2  }
0x83: {  	_ =	swait.ge @!p0 [sflag:s0], s1  }
0x84: {  	s1 =	ssub.s32 @!p0 $0x0, s1;
	[sflag:s0] =	ssyncset.done @!p0 $0x0  }
0x85: {  	[sflag:s0] =	ssyncadd.s32 @!p0 s1  }
0x86: {  	[bflag:$0x3] =	sbarrier.arrive $0xFFFF  }
0x87: {  	_ =	shalt  }

// kernel: kernel.7.cloned.1.call-start
scs
__scs_entry_jumppad:
0x0: {  	(pc) =	sbr.rel $0x88, $3  }
0x1: {  	(tag) =	ssettag $0x0;
	lr =	simm.s32 $0x1  }
0x2: {  	[smem:$0x3F97] =	sst lr;
	_ =	strace $0xD0000000  }
0x3: {  	_ = 	snop  }
0x4: {  	_ = 	snop  }
0x5: {  	_ = 	snop  }
0x6: {  	_ = 	snop  }
0x7: {  	_ = 	snop  }
__scs_overlays_trampoline_lowered:
0x8: {  	[smem:$0x3FA6] =	sst s0  }
0x9: {  	[smem:$0x3FA7] =	sst s1  }
0xa: {  	[smem:$0x3FA8] =	sst s2  }
0xb: {  	[smem:$0x3FA9] =	sst s3  }
0xc: {  	[smem:$0x3FAA] =	sst s4  }
0xd: {  	[smem:$0x3FAB] =	sst s5  }
0xe: {  	[smem:$0x3FAC] =	sst s6  }
0xf: {  	[smem:$0x3FAD] =	sst s7  }
0x10: {  	[smem:$0x3FAE] =	sst s8  }
0x11: {  	[smem:$0x3FAF] =	sst s9;
	s0 =	simm.s32 @!p0 $0x0  }
0x12: {  	s1 =	sld [smem:$0x3F95];
	s0 =	simm.s32 @p0 $0x1  }
0x13: {  	[smem:$0x3FB0] =	sst s0;
	s0 =	simm.s32 @!p1 $0x0  }
0x14: {  	s2 =	sld [smem:$0x3F94];
	s0 =	simm.s32 @p1 $0x1  }
0x15: {  	[smem:$0x3FB1] =	sst s0;
	s0 =	simm.s32 @!p2 $0x0  }
0x16: {  	s3 =	sld [smem:$0x3FDB];
	s0 =	simm.s32 @p2 $0x1  }
0x17: {  	s4 =	simm.s32 $0x1BF5;
	[smem:$0x3FB3] =	sst s0  }
0x18: {  	s0 =	sld [smem:$0x3F96];
	_ =	swait.ge [sflag:s4], $0x0  }
0x19: {  	s7 =	sld [smem:$0x3F97]  }
0x1a: {  	s8 =	sadd.s32 $0xFFFFE003, lr  }
0x1b: {  	s9 =	sadd.s32 $0xFFFFFEF7, lr;
	s5 =	simm.s32 $0xFFFFFFFF;
	p2 =	slt.u32 s8, $0xFFFFF086  }
0x1c: {  	p1 =	slt.u32 s9, $0xF7A;
	s5 =	simm.s32 @!p2 $0x0  }
0x1d: {  	s5 =	simm.s32 @p1 $0x1;
	p0 =	seq.s32 s7, s2  }
0x1e: {  	s7 =	smul.u32 @!p0 $0xF7A, s2;
	p2 =	seq.s32 @!p0 s5, $0x0  }
0x1f: {  	s9 =	smul.u32 $0xF7A, s1;
	s8 =	simm.s32 @!p0 $0x1BF5;
	p2 =	por !p2, p0  }
0x20: {  	[sflag:s8] =	ssyncset.s32 @!p0 $0xFFFFF086;
	s6 =	sadd.s32 @!p0 s3, s7;
	s7 =	simm.s32 @!p0 $0x108  }
0x21: {  	s3 =	sadd.s32 s3, s9;
	s6 =	sadd.s32 @!p0 $0x88, s6;
	s7 =	simm.s32 @p2 $0x1082  }
0x22: {  	[simem:s7], [sflag:s8] =	dma.local @!p0 [hbm:s6], $0xF7A  }
0x23: {  	s9 =	sor.u32 $0xD0000000, s2;
	s6 =	simm.s32 $0x108;
	_ =	swait.ge @!p0 [sflag:s8], $0x0  }
0x24: {  	s3 =	sadd.s32 $0x88, s3;
	s6 =	simm.s32 @!p1 $0x1082;
	[sflag:s4] =	ssyncset.s32 $0xFFFFF086  }
0x25: {  	[simem:s6], [sflag:s4] =	dma.local [hbm:s3], $0xF7A  }
0x26: {  	[smem:$0x3F97] =	sst s1;
	(tag) =	ssettag s2;
	_ =	strace s9  }
0x27: {  	s1 =	sld [smem:$0x3FA7]  }
0x28: {  	s2 =	sld [smem:$0x3FA8]  }
0x29: {  	s4 =	sld [smem:$0x3FAA]  }
0x2a: {  	p0 =	seq.s32 s5, $0x0;
	s5 =	sld [smem:$0x3FAB]  }
0x2b: {  	s6 =	sld [smem:$0x3FAC]  }
0x2c: {  	s7 =	sld [smem:$0x3FAD]  }
0x2d: {  	s3 =	simm.s32 $0x108;
	s8 =	sld [smem:$0x3FAE]  }
0x2e: {  	s3 =	simm.s32 @!p0 $0x1082;
	s9 =	sld [smem:$0x3FAF]  }
0x2f: {  	lr =	sadd.s32 s0, s3;
	s0 =	sld [smem:$0x3FA6]  }
0x30: {  	s3 =	sld [smem:$0x3FA9]  }
0x31: {  	[smem:$0x3FB2] =	sst s10  }
0x32: {  	s10 =	sld [smem:$0x3FB0];
	_ =	sdelay $0x3  }
0x33: {  	p0 =	seq.s32 s10, $0x1;
	s10 =	sld [smem:$0x3FB2];
	_ =	sdelay $0x3  }
0x34: {  	[smem:$0x3FB2] =	sst s10  }
0x35: {  	s10 =	sld [smem:$0x3FB1];
	_ =	sdelay $0x3  }
0x36: {  	p1 =	seq.s32 s10, $0x1;
	s10 =	sld [smem:$0x3FB2];
	_ =	sdelay $0x3  }
0x37: {  	[smem:$0x3FB2] =	sst s10  }
0x38: {  	s10 =	sld [smem:$0x3FB3]  }
0x39: {  	_ = 	snop;
	(pc) =	sbr.ind lr, $3  }
0x3a: {  	_ = 	snop  }
0x3b: {  	_ = 	snop  }
0x3c: {  	p2 =	seq.s32 s10, $0x1;
	s10 =	sld [smem:$0x3FB2]  }
0x3d: {  	_ =	shalt  }
0x3e: {  	_ =	shalt  }
0x3f: {  	_ =	shalt  }
0x40: {  	_ =	shalt  }
0x41: {  	_ =	shalt  }
0x42: {  	_ =	shalt  }
0x43: {  	_ =	shalt  }
0x44: {  	_ =	shalt  }
0x45: {  	_ =	shalt  }
0x46: {  	_ =	shalt  }
0x47: {  	_ =	shalt  }
0x48: {  	_ =	shalt  }
0x49: {  	_ =	shalt  }
0x4a: {  	_ =	shalt  }
0x4b: {  	_ =	shalt  }
0x4c: {  	_ =	shalt  }
0x4d: {  	_ =	shalt  }
0x4e: {  	_ =	shalt  }
0x4f: {  	_ =	shalt  }
0x50: {  	_ =	shalt  }
0x51: {  	_ =	shalt  }
0x52: {  	_ =	shalt  }
0x53: {  	_ =	shalt  }
0x54: {  	_ =	shalt  }
0x55: {  	_ =	shalt  }
0x56: {  	_ =	shalt  }
0x57: {  	_ =	shalt  }
0x58: {  	_ =	shalt  }
0x59: {  	_ =	shalt  }
0x5a: {  	_ =	shalt  }
0x5b: {  	_ =	shalt  }
0x5c: {  	_ =	shalt  }
0x5d: {  	_ =	shalt  }
0x5e: {  	_ =	shalt  }
0x5f: {  	_ =	shalt  }
0x60: {  	_ =	shalt  }
0x61: {  	_ =	shalt  }
0x62: {  	_ =	shalt  }
0x63: {  	_ =	shalt  }
0x64: {  	_ =	shalt  }
0x65: {  	_ =	shalt  }
0x66: {  	_ =	shalt  }
0x67: {  	_ =	shalt  }
0x68: {  	_ =	shalt  }
0x69: {  	_ =	shalt  }
0x6a: {  	_ =	shalt  }
0x6b: {  	_ =	shalt  }
0x6c: {  	_ =	shalt  }
0x6d: {  	_ =	shalt  }
0x6e: {  	_ =	shalt  }
0x6f: {  	_ =	shalt  }
0x70: {  	_ =	shalt  }
0x71: {  	_ =	shalt  }
0x72: {  	_ =	shalt  }
0x73: {  	_ =	shalt  }
0x74: {  	_ =	shalt  }
0x75: {  	_ =	shalt  }
0x76: {  	_ =	shalt  }
0x77: {  	_ =	shalt  }
0x78: {  	_ =	shalt  }
0x79: {  	_ =	shalt  }
0x7a: {  	_ =	shalt  }
0x7b: {  	_ =	shalt  }
0x7c: {  	_ =	shalt  }
0x7d: {  	_ =	shalt  }
0x7e: {  	_ =	shalt  }
0x7f: {  	_ =	shalt  }
0x80: {  	_ =	shalt  }
0x81: {  	_ =	shalt  }
0x82: {  	_ =	shalt  }
0x83: {  	_ =	shalt  }
0x84: {  	_ =	shalt  }
0x85: {  	_ =	shalt  }
0x86: {  	_ =	shalt  }
0x87: {  	_ =	shalt  }
.Lfunc_end0:
.L_simem_size_0:
called_computation_lowered:
.L_overlay_start_0:
0x88: {  	s2 =	sld [smem:$0x3FD9]  }
0x89: {  	s3 =	sld [smem:$0x3FFE];
	_ =	sdelay $0x1  }
0x8a: {  	s1 =	srdreg.scid  }
0x8b: {  	s0 =	sand.u32 $0x1, s1  }
0x8c: {  	s17 =	sshll.u32 s0, $0xA;
	s2 =	sadd.s32 s3, s2  }
0x8d: {  	s2 =	sadd.s32 s2, s17  }
0x8e: {  	[smem:$0x3FBE] =	sst s2  }
0x8f: {  	_ = 	snop  }
0x90: {  	s18 =	sld [smem:$0x3FC9];
	(tm) =	ssettm $0x1  }
0x91: {  	s19 =	sld [smem:$0x3FFB];
	_ =	sdelay $0x3  }
0x92: {  	_ =	strace s19  }
0x93: {  	s2 =	sld [smem:$0x3FFC];
	_ =	sdelay $0x3  }
0x94: {  	_ =	strace s2  }
0x95: {  	s2 =	sld [smem:$0x3FFD];
	_ =	sdelay $0x3  }
0x96: {  	_ =	strace s2  }
0x97: {  	_ =	strace $0x8FFFFFFF  }
0x98: {  	s20 =	sld [smem:$0x3FDB];
	_ =	sdelay $0x1  }
0x99: {  	s4 =	simm.s32 $_scs_section_size  }
0x9a: {  	s5 =	simm.s32 $_size__tile_overlayer_lowered;
	s6 =	simm.s32 $_tile_overlayer_lowered  }
0x9b: {  	s7 =	simm.s32 $0x1BFF;
	s21 =	sshll.u32 s6, $0x1;
	s4 =	sadd.s32 s4, s20  }
0x9c: {  	s22 =	simm.s32 $0x0;
	s5 =	sshll.u32 s5, $0x1;
	s6 =	sadd.s32 s21, s4  }
0x9d: {  	[timem:s22], [sflag:s7] =	dma.local [hbm:s6], s5  }
0x9e: {  	_ =	swait.ge [sflag:s7], s5  }
0x9f: {  	s5 =	ssub.s32 $0x0, s5;
	[sflag:s7] =	ssyncset.done $0x0  }
0xa0: {  	[sflag:s7] =	ssyncadd.s32 s5;
	_ =	sdelay $0x1  }
0xa1: {  	s23 =	simm.s32 $0x1B8B  }
0xa2: {  	_ =	swait.ge [sflag:s23], $0x1  }
0xa3: {  	[sflag:s23] =	ssyncset.done $0x0  }
0xa4: {  	[sflag:s23] =	ssyncadd.s32 $0xFFFFFFFF  }
0xa5: {  	s5 =	sld [smem:$0x0]  }
0xa6: {  	s6 =	sand.u32 $0xFFFFFFFE, s1  }
0xa7: {  	p0 =	sne.s32 s1, s6  }
0xa8: {  	s6 =	sshll.u32 @p0 s6, $0xE  }
0xa9: {  	s6 =	sadd.s32 @p0 $0x11B8D, s6;
	s7 =	sshll.u32 @p0 s5, $0x11  }
0xaa: {  	s6 =	sor.u32 @p0 s7, s6  }
0xab: {  	[sflag:s6] =	ssyncadd.remote.s32 @p0 $0x1;
	_ =	sdelay $0x1  }
0xac: {  	s6 =	simm.s32 @p0 $0x1B8D  }
0xad: {  	_ =	swait.eq @p0 [sflag:s6], $0x1  }
0xae: {  	[sflag:s6] =	ssyncadd.s32 @p0 $0xFFFFFFFF  }
0xaf: {  	s7 =	sshll.u32 @!p0 s1, $0xE  }
0xb0: {  	s7 =	sor.u32 @!p0 $0x4000, s7;
	s6 =	simm.s32 @!p0 $0x1B8D  }
0xb1: {  	s5 =	sshll.u32 @!p0 s5, $0x11;
	s7 =	sadd.s32 @!p0 $0x11B8D, s7;
	_ =	swait.eq @!p0 [sflag:s6], $0x1  }
0xb2: {  	s5 =	sor.u32 @!p0 s5, s7;
	[sflag:s6] =	ssyncadd.s32 @!p0 $0xFFFFFFFF  }
0xb3: {  	s25 =	simm.s32 $0x1B8E;
	s24 =	sld [smem:$0x3FFE];
	[sflag:s5] =	ssyncadd.remote.s32 @!p0 $0x1  }
0xb4: {  	s26 =	simm.s32 $execute0_lowered;
	[smem:$0x3FD2] =	sst s25  }
0xb5: {  	s6 =	sshll.u32 s26, $0x1;
	_ =	strace $0x80000049;
	[dreg:$0x1] =	wrdreg $0xFFFFFFFF  }
0xb6: {  	s28 =	simm.s32 $_size_execute0_lowered;
	s4 =	sadd.s32 s4, s6;
	[dreg:$0x0] =	wrdreg $0x0  }
0xb7: {  	s6 =	sshll.u32 s28, $0x1;
	[dreg:$0x2] =	wrdreg s4  }
0xb8: {  	[dreg:$0x3] =	wrdreg s6  }
0xb9: {  	[dreg:$0x4] =	wrdreg $0xC0  }
0xba: {  	_ =	task [dreg:s22], $0x5FFFF  }
0xbb: {  	[dreg:$0x1] =	wrdreg $0xFFFFFFFF  }
0xbc: {  	[dreg:$0x0] =	wrdreg $0x60  }
0xbd: {  	[dreg:$0x2] =	wrdreg s18  }
0xbe: {  	[dreg:$0x3] =	wrdreg s24  }
0xbf: {  	[dreg:$0x4] =	wrdreg $0x9  }
0xc0: {  	_ =	task.clear_ibuf [dreg:s22], $0x5FFFF;
	_ =	strace $0x90000049  }
0xc1: {  	s29 =	simm.s32 $0x9;
	_ =	strace $0x8000004B  }
0xc2: {  	_ =	swait.ge [sflag:s29], $0x1  }
0xc3: {  	[sflag:s29] =	ssyncadd.s32 $0xFFFFFFFF  }
0xc4: {  	_ =	strace $0x9000004B  }
0xc5: {  	_ =	sfence  }
0xc6: {  	s30 =	sld [smem:$0x0];
	_ =	sdelay $0x2  }
0xc7: {  	s31 =	sshll.u32 s1, $0xD;
	s1 =	sshrl.u32 s1, $0x2  }
0xc8: {  	s4 =	sand.u32 $0x4000, s31;
	s1 =	sadd.s32 s1, s30  }
0xc9: {  	s0 =	sor.u32 s4, s0;
	s1 =	sshll.u32 s1, $0x11  }
0xca: {  	s0 =	sor.u32 s1, s0  }
0xcb: {  	s0 =	sadd.s32 $0x8F2B, s0  }
0xcc: {  	[sflag:s0] =	ssyncadd.remote.s32 $0x1  }
0xcd: {  	_ =	sfence.sel $0xFFFF  }
0xce: {  	[dreg:$0x0] =	wrdreg $0xFFFFFFFF;
	(pc) =	sbr.abs _section_cstart, $3  }
0xcf: {  	[dreg:$0x1] =	wrdreg $0xFFFFFFFF  }
0xd0: {  	_ =	task.clear_ibuf [dreg:s22], $0x2FFFF;
	_ =	strace $0x9FFFFFFF  }
0xd1: {  	(tm) =	ssettm $0x7FFFFFFF  }
tec
execute0_lowered:
.L_overlay_start_1:
0x0: {  	(tag) =	ssettag $0x1  }
0x1: {  	s3 =	rddreg [dreg:$0x0]  }
0x2: {  	s2 =	rddreg [dreg:$0x1]  }
0x3: {  	s0 =	rddreg [dreg:$0x2];
	s1 =	simm.s32 $0x0  }
0x4: {  	s4 =	srdreg.scid;
	s10 =	simm.s32 $0x100;
	s11 =	simm.s32 $0x8200  }
0x5: {  	s12 =	simm.s32 $0x180;
	s13 =	simm.s32 $0xC200;
	s4 =	sand.u32 $0x1, s4  }
0x6: {  	[smem:$0x7FF] =	sst s1;
	s5 =	sadd.s32 $0x7E9E00, s2;
	s7 =	ssub.s32 $0x2, s4  }
0x7: {  	_ =	strace $0x8000004A;
	s6 =	sshll.u32 s4, $0xD;
	s8 =	sshrl.u32 s7, $0x1  }
0x8: {  	s4 =	sshll.u32 s4, $0x6;
	s6 =	sadd.s32 s6, s2;
	s7 =	ssub.s32 s7, s8  }
0x9: {  	s2 =	stileid.u32;
	s3 =	sadd.s32 s3, s4;
	s15 =	smax.u32 s7, $0x1  }
0xa: {  	s9 =	sshll.u32 s2, $0x7;
	s30 =	sshll.u32 s2, $0xE;
	p0 =	sne.s32 s15, $0x1  }
.Ltmp0:
0xb: {  	s8 =	simm.s32 $0x80;
	s14 =	sadd.s32 s9, s3;
	(pc) =	sbr.rel @!p0 .LBB2_2-.Ltmp0, $4  }
0xc: {  	s31 =	sadd.s32 s30, s6;
	s3 =	simm.s32 $0x2;
	s6 =	simm.s32 $0x200  }
0xd: {  	[tilespmem:s1], [sflag:$0x2] =	stream.linear.gather [hbm4b:s14+s1], $0x200, $0x38;
	[tilespmem:$0x10200] =	vst v63  }
0xe: {  	s9 =	simm.s32 $0x4200;
	s7 =	simm.s32 $0x1;
	_ =	swait.ge [sflag:s3], $0x200  }
0xf: {  	s4 =	sadd.s32 $0x8ADE00, s31;
	s15 =	sadd.s32 $0xFFFFFFFF, s15;
	[sflag:s3] =	ssyncset.done $0x0  }
.LBB2_1:
0x10: {  	p0 =	sne.s32 s15, $0x1;
	s15 =	sadd.s32 $0xFFFFFFFF, s15;
	[sflag:s3] =	ssyncadd.s32 $0xFFFFFE00  }
0x11: {  	v0 =	vld [tilespmem:$0x160]  }
0x12: {  	v1 =	vld [tilespmem:$0x170]  }
0x13: {  	v2 =	vld [tilespmem:$0x1E0]  }
0x14: {  	v3 =	vld [tilespmem:$0x1D0]  }
0x15: {  	v4 =	vld [tilespmem:$0x1C0]  }
0x16: {  	vm0 =	vgt.s32 v0, $0xC3FF;
	v5 =	vadd.s32 $0xFFFF3C00, v0;
	v6 =	vld [tilespmem:$0x1B0]  }
0x17: {  	v7 =	vld [tilespmem:$0x40];
	v0 =	vsel vm0, v5, v0;
	vm0 =	vgt.s32 v1, $0xC3FF;
	v5 =	vadd.s32 $0xFFFF3C00, v1  }
0x18: {  	v8 =	vld [tilespmem:$0x80];
	v1 =	vsel vm0, v5, v1;
	vm0 =	vgt.s32 v2, $0xC3FF;
	v5 =	vadd.s32 $0xFFFF3C00, v2  }
0x19: {  	v9 =	vld [tilespmem:$0x50];
	[tilespmem:$0x170] =	vst v1;
	vm1 =	vgt.s32 v3, $0xC3FF;
	v1 =	vadd.s32 $0xFFFF3C00, v3;
	v2 =	vsel vm0, v5, v2  }
0x1a: {  	v5 =	vld [tilespmem:$0x30];
	vm0 =	vgt.s32 v4, $0xC3FF;
	v10 =	vadd.s32 $0xFFFF3C00, v4;
	v1 =	vsel vm1, v1, v3;
	[tilespmem:$0x1E0] =	vst v2  }
0x1b: {  	v2 =	vld [tilespmem:$0x70];
	vm1 =	vgt.s32 v6, $0xC3FF;
	v3 =	vadd.s32 $0xFFFF3C00, v6;
	v4 =	vsel vm0, v10, v4;
	[tilespmem:$0x1D0] =	vst v1  }
0x1c: {  	v1 =	vld [tilespmem:$0x20];
	vm0 =	vgt.s32 v7, $0xC3FF;
	v10 =	vadd.s32 $0xFFFF3C00, v7;
	v3 =	vsel vm1, v3, v6  }
0x1d: {  	v6 =	vsel vm0, v10, v7;
	v7 =	vld [tilespmem:$0x60];
	vm0 =	vgt.s32 v8, $0xC3FF;
	v10 =	vadd.s32 $0xFFFF3C00, v8;
	[tilespmem:$0x1C0] =	vst v4  }
0x1e: {  	v4 =	vld [tilespmem:$0x10];
	vm1 =	vgt.s32 v9, $0xC3FF;
	v11 =	vadd.s32 $0xFFFF3C00, v9;
	v8 =	vsel vm0, v10, v8  }
0x1f: {  	v10 =	vld [tilespmem:$0x0];
	vm0 =	vgt.s32 v5, $0xC3FF;
	v12 =	vadd.s32 $0xFFFF3C00, v5;
	v9 =	vsel vm1, v11, v9;
	[tilespmem:$0x80] =	vst v8  }
0x20: {  	v5 =	vsel vm0, v12, v5;
	vm0 =	vgt.s32 v2, $0xC3FF;
	v8 =	vadd.s32 $0xFFFF3C00, v2;
	v11 =	vld [tilespmem:$0xA0];
	[tilespmem:$0x1B0] =	vst v3  }
0x21: {  	vm1 =	vgt.s32 v1, $0xC3FF;
	v3 =	vadd.s32 $0xFFFF3C00, v1;
	[tilespmem:$0x50] =	vst v9;
	v2 =	vsel vm0, v8, v2;
	v8 =	vld [tilespmem:$0x90]  }
0x22: {  	v1 =	vsel vm1, v3, v1;
	[tilespmem:$0x40] =	vst v6;
	vm0 =	vgt.s32 v7, $0xC3FF;
	v3 =	vadd.s32 $0xFFFF3C00, v7;
	v6 =	vld [tilespmem:$0x1F0]  }
0x23: {  	vm1 =	vgt.s32 v4, $0xC3FF;
	v9 =	vadd.s32 $0xFFFF3C00, v4;
	v3 =	vsel vm0, v3, v7;
	v7 =	vld [tilespmem:$0xE0];
	[tilespmem:$0x160] =	vst v0  }
0x24: {  	vm0 =	vgt.s32 v10, $0xC3FF;
	v0 =	vadd.s32 $0xFFFF3C00, v10;
	v4 =	vsel vm1, v9, v4;
	[tilespmem:$0x60] =	vst v3;
	v3 =	vld [tilespmem:$0xB0]  }
0x25: {  	v0 =	vsel vm0, v0, v10;
	[tilespmem:$0x70] =	vst v2;
	vm0 =	vgt.s32 v11, $0xC3FF;
	v2 =	vadd.s32 $0xFFFF3C00, v11;
	v9 =	vld [tilespmem:$0xF0]  }
0x26: {  	[tilespmem:$0x10] =	vst v4;
	vm1 =	vgt.s32 v8, $0xC3FF;
	v4 =	vadd.s32 $0xFFFF3C00, v8;
	v2 =	vsel vm0, v2, v11;
	v10 =	vld [tilespmem:$0x110]  }
0x27: {  	v4 =	vsel vm1, v4, v8;
	[tilespmem:$0xA0] =	vst v2;
	v2 =	vld [tilespmem:$0xD0];
	vm0 =	vgt.s32 v6, $0xC3FF;
	v8 =	vadd.s32 $0xFFFF3C00, v6  }
0x28: {  	[tilespmem:$0x30] =	vst v5;
	vm1 =	vgt.s32 v7, $0xC3FF;
	v5 =	vadd.s32 $0xFFFF3C00, v7;
	v11 =	vld [tilespmem:$0x150];
	v6 =	vsel vm0, v8, v6  }
0x29: {  	vm0 =	vgt.s32 v3, $0xC3FF;
	v8 =	vadd.s32 $0xFFFF3C00, v3;
	v5 =	vsel vm1, v5, v7;
	v7 =	vld [tilespmem:$0x100];
	[tilespmem:$0x1F0] =	vst v6  }
0x2a: {  	[tilespmem:$0x90] =	vst v4;
	v3 =	vsel vm0, v8, v3;
	vm0 =	vgt.s32 v9, $0xC3FF;
	v4 =	vadd.s32 $0xFFFF3C00, v9;
	v6 =	vld [tilespmem:$0x140]  }
0x2b: {  	[tilespmem:$0xE0] =	vst v5;
	v4 =	vsel vm0, v4, v9;
	v5 =	vld [tilespmem:$0x130]  }
0x2c: {  	v8 =	vadd.s32 $0xFFFF3C00, v10;
	[tilespmem:$0x20] =	vst v1;
	vm0 =	vgt.s32 v2, $0xC3FF;
	v1 =	vadd.s32 $0xFFFF3C00, v2;
	v9 =	vld [tilespmem:$0x120]  }
0x2d: {  	v1 =	vsel vm0, v1, v2;
	[tilespmem:$0xF0] =	vst v4;
	vm0 =	vgt.s32 v11, $0xC3FF;
	v2 =	vadd.s32 $0xFFFF3C00, v11  }
0x2e: {  	[tilespmem:$0xD0] =	vst v1;
	vm1 =	vgt.s32 v7, $0xC3FF;
	v1 =	vadd.s32 $0xFFFF3C00, v7;
	v2 =	vsel vm0, v2, v11  }
0x2f: {  	v4 =	vld [tilespmem:$0xC0];
	v1 =	vsel vm1, v1, v7;
	vm0 =	vgt.s32 v6, $0xC3FF;
	v7 =	vadd.s32 $0xFFFF3C00, v6;
	[tilespmem:$0x150] =	vst v2  }
0x30: {  	[tilespmem:$0xB0] =	vst v3;
	vm1 =	vgt.s32 v5, $0xC3FF;
	v2 =	vadd.s32 $0xFFFF3C00, v5;
	v3 =	vsel vm0, v7, v6;
	v6 =	vld [tilespmem:$0x1A0]  }
0x31: {  	vm0 =	vgt.s32 v10, $0xC3FF;
	v7 =	vadd.s32 $0xFFFF3C00, v9;
	v2 =	vsel vm1, v2, v5;
	[tilespmem:$0x140] =	vst v3;
	v3 =	vld [tilespmem:$0x190]  }
0x32: {  	v5 =	vsel vm0, v8, v10;
	vm0 =	vgt.s32 v9, $0xC3FF;
	[tilespmem:$0x130] =	vst v2;
	v2 =	vld [tilespmem:$0x180]  }
0x33: {  	[tilespmem:$0x110] =	vst v5;
	v5 =	vsel vm0, v7, v9  }
0x34: {  	[tilespmem:$0x0] =	vst v0;
	vm0 =	vgt.s32 v4, $0xC3FF;
	v0 =	vadd.s32 $0xFFFF3C00, v4  }
0x35: {  	v0 =	vsel vm0, v0, v4;
	[tilespmem:$0x120] =	vst v5;
	vm0 =	vgt.s32 v6, $0xC3FF;
	v4 =	vadd.s32 $0xFFFF3C00, v6  }
0x36: {  	[tilespmem:$0xC0] =	vst v0;
	vm1 =	vgt.s32 v3, $0xC3FF;
	v0 =	vadd.s32 $0xFFFF3C00, v3;
	v4 =	vsel vm0, v4, v6  }
0x37: {  	vm0 =	vgt.s32 v2, $0xC3FF;
	v5 =	vadd.s32 $0xFFFF3C00, v2;
	v0 =	vsel vm1, v0, v3;
	[tilespmem:$0x1A0] =	vst v4  }
0x38: {  	v2 =	vsel vm0, v5, v2;
	[tilespmem:$0x190] =	vst v0  }
0x39: {  	[tilespmem:$0x180] =	vst v2  }
0x3a: {  	[tilespmem:$0x100] =	vst v1  }
0x3b: {  	[tilespmem:s6], [sflag:$0x1] =	stream.indirect.gather [hbm4b:s5+s8], $0x80, s1, s8, $0xb8;
	[tilespmem:$0x10200] =	vst v63  }
0x3c: {  	_ = 	snop  }
0x3d: {  	[tilespmem:s9], [sflag:$0x1] =	stream.indirect.gather [hbm4b:s5+s8], $0x80, s8, s8, $0xb8;
	[tilespmem:$0x10200] =	vst v63  }
0x3e: {  	_ = 	snop  }
0x3f: {  	[tilespmem:s11], [sflag:$0x1] =	stream.indirect.gather [hbm4b:s5+s8], $0x80, s10, s8, $0xb8;
	[tilespmem:$0x10200] =	vst v63  }
0x40: {  	_ = 	snop  }
0x41: {  	[tilespmem:s13], [sflag:$0x1] =	stream.indirect.gather [hbm4b:s5+s8], $0x80, s12, s8, $0xb8;
	[tilespmem:$0x10200] =	vst v63  }
0x42: {  	_ =	swait.ge [sflag:s7], $0x4000  }
0x43: {  	[sflag:s7] =	ssyncset.done $0x0  }
0x44: {  	[sflag:s7] =	ssyncadd.s32 $0xFFFFC000  }
0x45: {  	_ =	swait.ge [sflag:s7], $0x4000  }
0x46: {  	[sflag:s7] =	ssyncset.done $0x0  }
0x47: {  	[sflag:s7] =	ssyncadd.s32 $0xFFFFC000  }
0x48: {  	_ =	swait.ge [sflag:s7], $0x4000  }
0x49: {  	[sflag:s7] =	ssyncset.done $0x0  }
0x4a: {  	[sflag:s7] =	ssyncadd.s32 $0xFFFFC000  }
0x4b: {  	_ =	swait.ge [sflag:s7], $0x4000  }
0x4c: {  	[sflag:s7] =	ssyncset.done $0x0  }
0x4d: {  	[sflag:s7] =	ssyncadd.s32 $0xFFFFC000  }
0x4e: {  	[hbm4b:s4+s1] =	stream.linear.scatter [tilespmem:s6], [sflag:$0x2], $0x10000, $0x38;
	[tilespmem:$0x10200] =	vst v63  }
0x4f: {  	_ =	swait.ge [sflag:s3], $0x10000  }
.Ltmp1:
0x50: {  	[sflag:s3] =	ssyncset.done $0x0;
	(pc) =	sbr.rel @p0 .LBB2_1-.Ltmp1, $4  }
0x51: {  	[sflag:s3] =	ssyncadd.s32 $0xFFFF0000  }
0x52: {  	[tilespmem:s1], [sflag:$0x2] =	stream.linear.gather [hbm4b:s14+s1], $0x200, $0x38;
	[tilespmem:$0x10200] =	vst v63  }
0x53: {  	_ =	swait.ge [sflag:s3], $0x200  }
0x54: {  	[sflag:s3] =	ssyncset.done $0x0  }
.LBB2_2:
0x55: {  	[sflag:s3] =	ssyncadd.s32 $0xFFFFFE00  }
0x56: {  	v0 =	vld [tilespmem:$0x170]  }
0x57: {  	v1 =	vld [tilespmem:$0x1E0]  }
0x58: {  	v3 =	vld [tilespmem:$0x1C0]  }
0x59: {  	v4 =	vld [tilespmem:$0x80]  }
0x5a: {  	v5 =	vld [tilespmem:$0x1B0]  }
0x5b: {  	v7 =	vld [tilespmem:$0x50];
	vm0 =	vgt.s32 v0, $0xC3FF;
	v6 =	vadd.s32 $0xFFFF3C00, v0  }
0x5c: {  	v59 =	vld [tilespmem:$0x70];
	vm10 =	vgt.s32 v1, $0xC3FF;
	v53 =	vadd.s32 $0xFFFF3C00, v1;
	v0 =	vsel vm0, v6, v0  }
0x5d: {  	v15 =	vld [tilespmem:$0x30];
	vm11 =	vgt.s32 v3, $0xC3FF;
	v9 =	vadd.s32 $0xFFFF3C00, v3;
	v1 =	vsel vm10, v53, v1;
	[tilespmem:$0x170] =	vst v0  }
0x5e: {  	v2 =	vld [tilespmem:$0x1D0];
	vm12 =	vgt.s32 v4, $0xC3FF;
	v58 =	vadd.s32 $0xFFFF3C00, v4;
	v56 =	vsel vm11, v9, v3;
	[tilespmem:$0x1E0] =	vst v1  }
0x5f: {  	v8 =	vld [tilespmem:$0x40];
	vm13 =	vgt.s32 v5, $0xC3FF;
	v60 =	vadd.s32 $0xFFFF3C00, v5;
	v61 =	vsel vm12, v58, v4;
	[tilespmem:$0x1C0] =	vst v56  }
0x60: {  	v55 =	vld [tilespmem:$0x160];
	vm14 =	vgt.s32 v7, $0xC3FF;
	v11 =	vadd.s32 $0xFFFF3C00, v7;
	v62 =	vsel vm13, v60, v5;
	[tilespmem:$0x80] =	vst v61  }
0x61: {  	v17 =	vld [tilespmem:$0x1F0];
	vm6 =	vgt.s32 v59, $0xC3FF;
	v18 =	vadd.s32 $0xFFFF3C00, v59;
	v5 =	vsel vm14, v11, v7;
	[tilespmem:$0x1B0] =	vst v62  }
0x62: {  	v19 =	vld [tilespmem:$0x90];
	vm9 =	vgt.s32 v15, $0xC3FF;
	v25 =	vadd.s32 $0xFFFF3C00, v15;
	v20 =	vsel vm6, v18, v59;
	[tilespmem:$0x50] =	vst v5  }
0x63: {  	v22 =	vld [tilespmem:$0xE0];
	vm1 =	vgt.s32 v2, $0xC3FF;
	v54 =	vadd.s32 $0xFFFF3C00, v2;
	v27 =	vsel vm9, v25, v15;
	[tilespmem:$0x70] =	vst v20  }
0x64: {  	v35 =	vld [tilespmem:$0x140];
	vm15 =	vgt.s32 v8, $0xC3FF;
	v12 =	vadd.s32 $0xFFFF3C00, v8;
	v0 =	vsel vm1, v54, v2;
	[tilespmem:$0x30] =	vst v27  }
0x65: {  	v57 =	vld [tilespmem:$0x60];
	vm4 =	vgt.s32 v55, $0xC3FF;
	v14 =	vadd.s32 $0xFFFF3C00, v55;
	v1 =	vsel vm15, v12, v8;
	[tilespmem:$0x1D0] =	vst v0  }
0x66: {  	v63 =	vld [tilespmem:$0x10];
	v29 =	vadd.s32 $0xFFFF3C00, v17;
	vm10 =	vgt.s32 v17, $0xC3FF;
	v2 =	vsel vm4, v14, v55;
	[tilespmem:$0x40] =	vst v1  }
0x67: {  	v13 =	vld [tilespmem:$0xA0];
	v30 =	vadd.s32 $0xFFFF3C00, v19;
	vm11 =	vgt.s32 v19, $0xC3FF;
	v4 =	vsel vm10, v29, v17;
	[tilespmem:$0x160] =	vst v2  }
0x68: {  	v26 =	vld [tilespmem:$0xF0];
	v33 =	vadd.s32 $0xFFFF3C00, v22;
	vm12 =	vgt.s32 v22, $0xC3FF;
	v7 =	vsel vm11, v30, v19;
	[tilespmem:$0x1F0] =	vst v4  }
0x69: {  	v31 =	vld [tilespmem:$0x150];
	v47 =	vadd.s32 $0xFFFF3C00, v35;
	vm6 =	vgt.s32 v35, $0xC3FF;
	v3 =	vsel vm12, v33, v22;
	[tilespmem:$0x90] =	vst v7  }
0x6a: {  	v40 =	vld [tilespmem:$0x0];
	vm5 =	vgt.s32 v57, $0xC3FF;
	v16 =	vadd.s32 $0xFFFF3C00, v57;
	v49 =	vsel vm6, v47, v35;
	[tilespmem:$0xE0] =	vst v3  }
0x6b: {  	v43 =	vld [tilespmem:$0x120];
	vm7 =	vgt.s32 v63, $0xC3FF;
	v21 =	vadd.s32 $0xFFFF3C00, v63;
	v0 =	vsel vm5, v16, v57;
	[tilespmem:$0x140] =	vst v49  }
0x6c: {  	v23 =	vld [tilespmem:$0x20];
	vm8 =	vgt.s32 v13, $0xC3FF;
	v24 =	vadd.s32 $0xFFFF3C00, v13;
	v2 =	vsel vm7, v21, v63;
	[tilespmem:$0x60] =	vst v0  }
0x6d: {  	v32 =	vld [tilespmem:$0xB0];
	v36 =	vadd.s32 $0xFFFF3C00, v26;
	vm14 =	vgt.s32 v26, $0xC3FF;
	v1 =	vsel vm8, v24, v13;
	[tilespmem:$0x10] =	vst v2  }
0x6e: {  	v38 =	vld [tilespmem:$0x110];
	v41 =	vadd.s32 $0xFFFF3C00, v31;
	vm4 =	vgt.s32 v31, $0xC3FF;
	v4 =	vsel vm14, v36, v26;
	[tilespmem:$0xA0] =	vst v1  }
0x6f: {  	v46 =	vld [tilespmem:$0xC0];
	vm9 =	vgt.s32 v40, $0xC3FF;
	v53 =	vadd.s32 $0xFFFF3C00, v40;
	v44 =	vsel vm4, v41, v31;
	[tilespmem:$0xF0] =	vst v4  }
0x70: {  	v50 =	vld [tilespmem:$0x1A0];
	v56 =	vadd.s32 $0xFFFF3C00, v43;
	vm10 =	vgt.s32 v43, $0xC3FF;
	v3 =	vsel vm9, v53, v40;
	[tilespmem:$0x150] =	vst v44  }
0x71: {  	v28 =	vld [tilespmem:$0xD0];
	v34 =	vadd.s32 $0xFFFF3C00, v23;
	vm13 =	vgt.s32 v23, $0xC3FF;
	v57 =	vsel vm10, v56, v43;
	[tilespmem:$0x0] =	vst v3  }
0x72: {  	v52 =	vld [tilespmem:$0x190];
	v42 =	vadd.s32 $0xFFFF3C00, v32;
	vm5 =	vgt.s32 v32, $0xC3FF;
	v0 =	vsel vm13, v34, v23;
	[tilespmem:$0x120] =	vst v57  }
0x73: {  	v37 =	vld [tilespmem:$0x130];
	v51 =	vadd.s32 $0xFFFF3C00, v38;
	vm8 =	vgt.s32 v38, $0xC3FF;
	v45 =	vsel vm5, v42, v32;
	[tilespmem:$0x20] =	vst v0  }
0x74: {  	v58 =	vadd.s32 $0xFFFF3C00, v46;
	v54 =	vld [tilespmem:$0x180];
	vm11 =	vgt.s32 v46, $0xC3FF;
	v5 =	vsel vm8, v51, v38;
	[tilespmem:$0xB0] =	vst v45  }
0x75: {  	v59 =	vadd.s32 $0xFFFF3C00, v50;
	v55 =	vld [tilespmem:$0x100];
	vm12 =	vgt.s32 v50, $0xC3FF;
	v2 =	vsel vm11, v58, v46;
	[tilespmem:$0x110] =	vst v5  }
0x76: {  	v39 =	vadd.s32 $0xFFFF3C00, v28;
	vm15 =	vgt.s32 v28, $0xC3FF;
	v3 =	vsel vm12, v59, v50;
	[tilespmem:$0xC0] =	vst v2  }
0x77: {  	v60 =	vadd.s32 $0xFFFF3C00, v52;
	vm13 =	vgt.s32 v52, $0xC3FF;
	v0 =	vsel vm15, v39, v28;
	[tilespmem:$0x1A0] =	vst v3  }
0x78: {  	v48 =	vadd.s32 $0xFFFF3C00, v37;
	vm7 =	vgt.s32 v37, $0xC3FF;
	v1 =	vsel vm13, v60, v52;
	[tilespmem:$0xD0] =	vst v0  }
0x79: {  	v0 =	vsel vm7, v48, v37;
	[tilespmem:$0x190] =	vst v1;
	vm14 =	vgt.s32 v54, $0xC3FF;
	v61 =	vadd.s32 $0xFFFF3C00, v54  }
0x7a: {  	[tilespmem:$0x130] =	vst v0;
	vm15 =	vgt.s32 v55, $0xC3FF;
	v62 =	vadd.s32 $0xFFFF3C00, v55;
	v0 =	vsel vm14, v61, v54  }
0x7b: {  	v63 =	vsel vm15, v62, v55;
	[tilespmem:$0x180] =	vst v0  }
0x7c: {  	[tilespmem:$0x100] =	vst v63  }
0x7d: {  	[tilespmem:s6], [sflag:$0x1] =	stream.indirect.gather [hbm4b:s5+s8], $0x80, s1, s8, $0xb8;
	[tilespmem:$0x10200] =	vst v63  }
0x7e: {  	_ = 	snop  }
0x7f: {  	[tilespmem:s9], [sflag:$0x1] =	stream.indirect.gather [hbm4b:s5+s8], $0x80, s8, s8, $0xb8;
	[tilespmem:$0x10200] =	vst v63  }
0x80: {  	_ = 	snop  }
0x81: {  	[tilespmem:s11], [sflag:$0x1] =	stream.indirect.gather [hbm4b:s5+s8], $0x80, s10, s8, $0xb8;
	[tilespmem:$0x10200] =	vst v63  }
0x82: {  	_ = 	snop  }
0x83: {  	[tilespmem:s13], [sflag:$0x1] =	stream.indirect.gather [hbm4b:s5+s8], $0x80, s12, s8, $0xb8;
	[tilespmem:$0x10200] =	vst v63  }
0x84: {  	_ =	swait.ge [sflag:s7], $0x4000  }
0x85: {  	[sflag:s7] =	ssyncset.done $0x0  }
0x86: {  	[sflag:s7] =	ssyncadd.s32 $0xFFFFC000  }
0x87: {  	_ =	swait.ge [sflag:s7], $0x4000  }
0x88: {  	[sflag:s7] =	ssyncset.done $0x0  }
0x89: {  	[sflag:s7] =	ssyncadd.s32 $0xFFFFC000  }
0x8a: {  	_ =	swait.ge [sflag:s7], $0x4000  }
0x8b: {  	[sflag:s7] =	ssyncset.done $0x0  }
0x8c: {  	[sflag:s7] =	ssyncadd.s32 $0xFFFFC000  }
0x8d: {  	_ =	swait.ge [sflag:s7], $0x4000  }
0x8e: {  	[sflag:s7] =	ssyncset.done $0x0  }
0x8f: {  	[sflag:s7] =	ssyncadd.s32 $0xFFFFC000  }
0x90: {  	[hbm4b:s4+s1] =	stream.linear.scatter [tilespmem:s6], [sflag:$0x2], $0x10000, $0x38;
	[tilespmem:$0x10200] =	vst v63  }
0x91: {  	_ =	swait.ge [sflag:s3], $0x10000  }
0x92: {  	[sflag:s3] =	ssyncset.done $0x0  }
0x93: {  	[sflag:s3] =	ssyncadd.s32 $0xFFFF0000  }
0x94: {  	_ =	sfence.sel $0x180000  }
0x95: {  	[bflag:$0x0] =	sbarrier.arrive $0xFFFF  }
0x96: {  	p0 =	sne.s32 s2, $0x0;
	_ =	strace $0x9000004A  }
0x97: {  	s0 =	sadd.s32 @!p0 $0x100000, s0;
	[bflag:$0x2] =	sbarrier.arrive $0xFFFF  }
0x98: {  	[sflag:s0] =	ssyncadd.tile.s32 @!p0 $0x1;
	_ =	shalt  }
.Lfunc_end2:
_tile_overlayer_lowered:
.L_overlay_start_2:
0x99: {  	(tag) =	ssettag $0x2  }
0x9a: {  	s0 =	rddreg [dreg:$0x0];
	s2 =	stileid.u32  }
0x9b: {  	s1 =	rddreg [dreg:$0x1];
	p0 =	sne.s32 s2, $0x0  }
0x9c: {  	s3 =	rddreg [dreg:$0x2];
	[bflag:$0x3] =	sbarrier.arrive $0xFFFF;
	s2 =	simm.s32 @!p0 $0x1C02  }
0x9d: {  	[timem:s3], [sflag:s2] =	dma.local @!p0 [hbm:s0], s1  }
0x9e: {  	s0 =	simm.s32 @!p0 $0x2  }
0x9f: {  	_ =	swait.ge @!p0 [sflag:s0], s1  }
0xa0: {  	s1 =	ssub.s32 @!p0 $0x0, s1;
	[sflag:s0] =	ssyncset.done @!p0 $0x0  }
0xa1: {  	[sflag:s0] =	ssyncadd.s32 @!p0 s1  }
0xa2: {  	[bflag:$0x3] =	sbarrier.arrive $0xFFFF  }
0xa3: {  	_ =	shalt  }

</sc_bundles>
